<compile_context>
chip_gen: v7x
topology: tpu7x:2x2x1
jax: 0.10.2.dev20260603
libtpu: 0.0.44.dev20260713+nightly
codegen_flags: <defaults>
</compile_context>

<pallas_src>
import functools

import jax
import jax.numpy as jnp
from jax import lax
from jax.experimental import pallas as pl
from jax.experimental.pallas import tpu as pltpu
from jax.experimental.pallas import tpu_sc as plsc

B = 4096
F = 26
V = 100000
E = 50
NUM = 13
H1 = 512
H2 = 256

N = B * F
NW = 32
PER_W = N // NW
GE = 256
NG = PER_W // GE
WROWS = N * E // 64 + 1
TROWS = F * V * E // 64


@jax.jit
def _gather_sc(table64, widx, off):
    mesh = plsc.VectorSubcoreMesh(core_axis_name="core", subcore_axis_name="subcore")

    @functools.partial(
        pl.kernel,
        out_type=jax.ShapeDtypeStruct((N * E,), jnp.float32),
        mesh=mesh,
        scratch_types=[
            pltpu.VMEM((2 * PER_W,), jnp.int32),
            pltpu.VMEM((PER_W,), jnp.int32),
            pltpu.VMEM((2 * GE, 64), jnp.float32),
            pltpu.VMEM((GE * E,), jnp.float32),
            pltpu.SemaphoreType.DMA,
        ],
        compiler_params=pltpu.CompilerParams(
            use_tc_tiling_on_sc=False, needs_layout_passes=False),
    )
    def k(table_hbm, widx_hbm, off_hbm, out_hbm, widx_v, off_v, win_v, out_v, sem):
        wid = lax.axis_index("subcore") * 2 + lax.axis_index("core")
        pltpu.sync_copy(widx_hbm.at[wid], widx_v)
        pltpu.sync_copy(off_hbm.at[wid], off_v)
        lane = lax.iota(jnp.int32, 16)
        base_r0 = lane * 2
        base_d0 = lane * E

        @pl.loop(0, NG)
        def _g(gi):
            pltpu.async_copy(
                table_hbm.at[widx_v.at[pl.ds(gi * (2 * GE), 2 * GE)]],
                win_v, sem).wait()

            @pl.loop(0, GE // 16)
            def _grp(pi):
                o = off_v[pl.ds(gi * GE + pi * 16, 16)]
                base_r = base_r0 + pi * 32
                base_d = base_d0 + pi * (16 * E)
                for j in range(E):
                    w = o + j
                    r = base_r + (w >> 6)
                    c = w & 63
                    x = plsc.load_gather(win_v, [r, c])
                    plsc.store_scatter(out_v, [base_d + j], x)

            pltpu.sync_copy(
                out_v,
                out_hbm.at[pl.ds(wid * (PER_W * E) + gi * (GE * E), GE * E)])

    return k(table64, widx, off)


def _bn(x, g, b, eps=1e-5):
    m = jnp.mean(x, axis=0, keepdims=True)
    v = jnp.mean((x - m) * (x - m), axis=0, keepdims=True)
    return (x - m) * lax.rsqrt(v + eps) * g + b


def _mlp_body(xc_ref, xn_ref, w1c_ref, w1n_ref, b1_ref, g1_ref, bb1_ref,
              w2_ref, b2_ref, g2_ref, bb2_ref, w3_ref, b3_ref,
              gn_ref, bnb_ref, out_ref):
    x_num = _bn(xn_ref[...], gn_ref[...], bnb_ref[...])
    h = jnp.dot(xc_ref[...], w1c_ref[...], preferred_element_type=jnp.float32)
    h = h + jnp.dot(x_num, w1n_ref[...], preferred_element_type=jnp.float32)
    h = h + b1_ref[...]
    h = jnp.maximum(_bn(h, g1_ref[...], bb1_ref[...]), 0.0)
    h = jnp.dot(h, w2_ref[...], preferred_element_type=jnp.float32) + b2_ref[...]
    h = jnp.maximum(_bn(h, g2_ref[...], bb2_ref[...]), 0.0)
    out_ref[...] = jnp.dot(h, w3_ref[...], preferred_element_type=jnp.float32) + b3_ref[...]


@jax.jit
def _mlp_tc(xc, xn, w1c, w1n, b1, g1, bb1, w2, b2, g2, bb2, w3, b3, gn, bnb):
    return pl.pallas_call(
        _mlp_body,
        out_shape=jax.ShapeDtypeStruct((B, 1), jnp.float32),
    )(xc, xn, w1c, w1n, b1, g1, bb1, w2, b2, g2, bb2, w3, b3, gn, bnb)


def kernel(cats, nums, emb_tables, bn_num_g, bn_num_b, W1, b1, bn1_g, bn1_b,
           W2, b2, bn2_g, bn2_b, W3, b3):
    table64 = emb_tables.reshape(TROWS, 64)
    idx = (cats.astype(jnp.int32)
           + (jnp.arange(F, dtype=jnp.int32) * V)[None, :]).reshape(N)
    word = idx * E
    w0 = word >> 6
    off = (word & 63).reshape(NW, PER_W)
    w1_ = jnp.minimum(w0 + 1, TROWS - 1)
    widx = jnp.stack([w0, w1_], axis=1).reshape(NW, 2 * PER_W)
    rows = _gather_sc(table64, widx, off)
    xcat = rows.reshape(B, F * E)

    w1c = W1[:, : F * E].T
    w1n = W1[:, F * E:].T
    out = _mlp_tc(
        xcat, nums,
        w1c, w1n, b1[None, :], bn1_g[None, :], bn1_b[None, :],
        W2.T, b2[None, :], bn2_g[None, :], bn2_b[None, :],
        W3.T, b3[None, :],
        bn_num_g[None, :], bn_num_b[None, :],
    )
    return out[:, 0]

# --- scband reference (transcript-rebuilt; emitter-appended) ---
"""Pipeline reference for scband-tabular-net-53936199303529 (READ-ONLY COPY).

The authoritative reference and input builder live on the scoring server;
editing this copy changes nothing except your own understanding.
"""

import jax, jax.numpy as jnp
import numpy as np

B = 4096
F = 26
V = 100000
E = 50  # emb_size(100000) = min(50, round(sqrt(100000)) + 1) = 50
NUM = 13
H1 = 512
H2 = 256
IN_DIM = F * E + NUM  # 1313


def _batchnorm(x, g, b, eps=1e-5):
    # training-mode BatchNorm1d: batch statistics, biased variance
    m = jnp.mean(x, axis=0)
    v = jnp.var(x, axis=0)
    return (x - m) / jnp.sqrt(v + eps) * g + b


def setup_inputs(seed: int = 0) -> dict:
    key = jax.random.key(seed)
    ks = jax.random.split(key, 16)
    cats = jax.random.randint(ks[0], (B, F), 0, V, dtype=jnp.int64) if jax.config.jax_enable_x64 else jax.random.randint(ks[0], (B, F), 0, V, dtype=jnp.int32)
    nums = jax.random.normal(ks[1], (B, NUM), dtype=jnp.float32)
    emb_tables = jax.random.normal(ks[2], (F, V, E), dtype=jnp.float32) * 0.01
    bn_num_g = jnp.ones((NUM,), dtype=jnp.float32)
    bn_num_b = jnp.zeros((NUM,), dtype=jnp.float32)
    W1 = jax.random.normal(ks[3], (H1, IN_DIM), dtype=jnp.float32) * (1.0 / np.sqrt(IN_DIM))
    b1 = jnp.zeros((H1,), dtype=jnp.float32)
    bn1_g = jnp.ones((H1,), dtype=jnp.float32)
    bn1_b = jnp.zeros((H1,), dtype=jnp.float32)
    W2 = jax.random.normal(ks[4], (H2, H1), dtype=jnp.float32) * (1.0 / np.sqrt(H1))
    b2 = jnp.zeros((H2,), dtype=jnp.float32)
    bn2_g = jnp.ones((H2,), dtype=jnp.float32)
    bn2_b = jnp.zeros((H2,), dtype=jnp.float32)
    W3 = jax.random.normal(ks[5], (1, H2), dtype=jnp.float32) * (1.0 / np.sqrt(H2))
    b3 = jnp.zeros((1,), dtype=jnp.float32)
    return {"cats": cats, "nums": nums, "emb_tables": emb_tables,
            "bn_num_g": bn_num_g, "bn_num_b": bn_num_b,
            "W1": W1, "b1": b1, "bn1_g": bn1_g, "bn1_b": bn1_b,
            "W2": W2, "b2": b2, "bn2_g": bn2_g, "bn2_b": bn2_b,
            "W3": W3, "b3": b3}


def reference(cats, nums, emb_tables, bn_num_g, bn_num_b, W1, b1, bn1_g, bn1_b, W2, b2, bn2_g, bn2_b, W3, b3):
    # per-field embedding lookup: emb_tables[f][cats[:, f]] for each field, concatenated
    field_idx = jnp.arange(emb_tables.shape[0])[None, :]  # [1, F]
    embs = emb_tables[field_idx, cats]                    # [B, F, E] gather
    x_cat = embs.reshape(cats.shape[0], -1)               # [B, F*E]
    x_num = _batchnorm(nums, bn_num_g, bn_num_b)
    x = jnp.concatenate([x_cat, x_num], axis=1)
    h = jax.nn.relu(_batchnorm(x @ W1.T + b1, bn1_g, bn1_b))
    h = jax.nn.relu(_batchnorm(h @ W2.T + b2, bn2_g, bn2_b))
    logits = (h @ W3.T + b3)[:, 0]
    return logits

if __name__ == "__main__":
    import jax
    _d = setup_inputs()
    print(jax.jit(kernel)(*tuple(_d.values())))

</pallas_src>

<mosaic_0001>
#map = affine_map<(d0, d1) -> (0, 0)>
#map1 = affine_map<(d0, d1) -> (0)>
module attributes {stable_mosaic.version = 14 : i64} {
  func.func @k(%arg0: i32, %arg1: i32, %arg2: memref<2031250x64xf32, #tpu.memory_space<hbm>>, %arg3: memref<32x6656xi32, #tpu.memory_space<hbm>>, %arg4: memref<32x3328xi32, #tpu.memory_space<hbm>>, %arg5: memref<5324800xf32, #tpu.memory_space<hbm>>, %arg6: memref<6656xi32, #tpu.memory_space<vmem>>, %arg7: memref<3328xi32, #tpu.memory_space<vmem>>, %arg8: memref<512x64xf32, #tpu.memory_space<vmem>>, %arg9: memref<12800xf32, #tpu.memory_space<vmem>>, %arg10: memref<!tpu.dma_semaphore, #tpu.memory_space<semaphore_mem>>) attributes {dimension_semantics = [#tpu.dimension_semantics<core_parallel>, #tpu.dimension_semantics<subcore_parallel>], iteration_bounds = array<i64: 2, 16>, scalar_prefetch = 0 : i64, scratch_operands = 5 : i64, tpu.core_type = #tpu.core_type<sc_vector_subcore>, window_params = [{transform_indices = #map}, {transform_indices = #map}, {transform_indices = #map}, {transform_indices = #map1}]} {
    %mul3A = arith.constant 2 : i32
    %mul3A_0 = arith.muli %arg1, %mul3A : i32
    %add3A = arith.addi %mul3A_0, %arg0 : i32
    "tpu.region"() ({
      %run_scoped3A = tpu.sem_alloc : memref<!tpu.dma_semaphore, #tpu.memory_space<semaphore_mem>>
      %dma_start3A = arith.constant 0 : i32
      %dma_start3A_11 = tpu.memref_slice %arg3[%add3A, %dma_start3A] : memref<32x6656xi32, #tpu.memory_space<hbm>> -> memref<1x6656xi32, #tpu.memory_space<hbm>>
      %dma_start3A_12 = tpu.memref_squeeze %dma_start3A_11 : memref<1x6656xi32, #tpu.memory_space<hbm>> -> memref<6656xi32, #tpu.memory_space<hbm>>
      %dma_start3A_13 = arith.constant 0 : i32
      %dma_start3A_14 = tpu.memref_slice %arg3[%add3A, %dma_start3A_13] : memref<32x6656xi32, #tpu.memory_space<hbm>> -> memref<1x6656xi32, #tpu.memory_space<hbm>>
      %dma_start3A_15 = tpu.memref_squeeze %dma_start3A_14 : memref<1x6656xi32, #tpu.memory_space<hbm>> -> memref<6656xi32, #tpu.memory_space<hbm>>
      tpu.enqueue_dma source(%dma_start3A_15 : memref<6656xi32, #tpu.memory_space<hbm>>) target(%arg6 : memref<6656xi32, #tpu.memory_space<vmem>>) target_semaphore(%run_scoped3A : memref<!tpu.dma_semaphore, #tpu.memory_space<semaphore_mem>>)
      %dma_wait3A = arith.constant 0 : i32
      %dma_wait3A_16 = tpu.memref_slice %arg3[%add3A, %dma_wait3A] : memref<32x6656xi32, #tpu.memory_space<hbm>> -> memref<1x6656xi32, #tpu.memory_space<hbm>>
      %dma_wait3A_17 = tpu.memref_squeeze %dma_wait3A_16 : memref<1x6656xi32, #tpu.memory_space<hbm>> -> memref<6656xi32, #tpu.memory_space<hbm>>
      %dma_wait3A_18 = arith.constant 0 : i32
      %dma_wait3A_19 = tpu.memref_slice %arg3[%add3A, %dma_wait3A_18] : memref<32x6656xi32, #tpu.memory_space<hbm>> -> memref<1x6656xi32, #tpu.memory_space<hbm>>
      %dma_wait3A_20 = tpu.memref_squeeze %dma_wait3A_19 : memref<1x6656xi32, #tpu.memory_space<hbm>> -> memref<6656xi32, #tpu.memory_space<hbm>>
      tpu.wait_dma2 semaphore(%run_scoped3A : memref<!tpu.dma_semaphore, #tpu.memory_space<semaphore_mem>>) src(%dma_wait3A_20 : memref<6656xi32, #tpu.memory_space<hbm>>) dst(%arg6 : memref<6656xi32, #tpu.memory_space<vmem>>)
      tpu.yield
    }) : () -> ()
    "tpu.region"() ({
      %run_scoped3A = tpu.sem_alloc : memref<!tpu.dma_semaphore, #tpu.memory_space<semaphore_mem>>
      %dma_start3A = arith.constant 0 : i32
      %dma_start3A_11 = tpu.memref_slice %arg4[%add3A, %dma_start3A] : memref<32x3328xi32, #tpu.memory_space<hbm>> -> memref<1x3328xi32, #tpu.memory_space<hbm>>
      %dma_start3A_12 = tpu.memref_squeeze %dma_start3A_11 : memref<1x3328xi32, #tpu.memory_space<hbm>> -> memref<3328xi32, #tpu.memory_space<hbm>>
      %dma_start3A_13 = arith.constant 0 : i32
      %dma_start3A_14 = tpu.memref_slice %arg4[%add3A, %dma_start3A_13] : memref<32x3328xi32, #tpu.memory_space<hbm>> -> memref<1x3328xi32, #tpu.memory_space<hbm>>
      %dma_start3A_15 = tpu.memref_squeeze %dma_start3A_14 : memref<1x3328xi32, #tpu.memory_space<hbm>> -> memref<3328xi32, #tpu.memory_space<hbm>>
      tpu.enqueue_dma source(%dma_start3A_15 : memref<3328xi32, #tpu.memory_space<hbm>>) target(%arg7 : memref<3328xi32, #tpu.memory_space<vmem>>) target_semaphore(%run_scoped3A : memref<!tpu.dma_semaphore, #tpu.memory_space<semaphore_mem>>)
      %dma_wait3A = arith.constant 0 : i32
      %dma_wait3A_16 = tpu.memref_slice %arg4[%add3A, %dma_wait3A] : memref<32x3328xi32, #tpu.memory_space<hbm>> -> memref<1x3328xi32, #tpu.memory_space<hbm>>
      %dma_wait3A_17 = tpu.memref_squeeze %dma_wait3A_16 : memref<1x3328xi32, #tpu.memory_space<hbm>> -> memref<3328xi32, #tpu.memory_space<hbm>>
      %dma_wait3A_18 = arith.constant 0 : i32
      %dma_wait3A_19 = tpu.memref_slice %arg4[%add3A, %dma_wait3A_18] : memref<32x3328xi32, #tpu.memory_space<hbm>> -> memref<1x3328xi32, #tpu.memory_space<hbm>>
      %dma_wait3A_20 = tpu.memref_squeeze %dma_wait3A_19 : memref<1x3328xi32, #tpu.memory_space<hbm>> -> memref<3328xi32, #tpu.memory_space<hbm>>
      tpu.wait_dma2 semaphore(%run_scoped3A : memref<!tpu.dma_semaphore, #tpu.memory_space<semaphore_mem>>) src(%dma_wait3A_20 : memref<3328xi32, #tpu.memory_space<hbm>>) dst(%arg7 : memref<3328xi32, #tpu.memory_space<vmem>>)
      tpu.yield
    }) : () -> ()
    %iota3A = tpu.iota {dimensions = array<i32: 0>} : vector<16xi32>
    %mul3A_1 = arith.constant 2 : i32
    %mul3A_2 = vector.broadcast %mul3A_1 : i32 to vector<16xi32>
    %mul3A_3 = arith.muli %iota3A, %mul3A_2 : vector<16xi32>
    %mul3A_4 = arith.constant 50 : i32
    %mul3A_5 = vector.broadcast %mul3A_4 : i32 to vector<16xi32>
    %mul3A_6 = arith.muli %iota3A, %mul3A_5 : vector<16xi32>
    %scan3A = arith.constant 0 : i32
    %scan3A_7 = arith.constant 13 : i32
    %scan3A_8 = arith.addi %scan3A, %scan3A_7 : i32
    %scan3A_9 = arith.constant 1 : i32
    scf.for %scan3A_11 = %scan3A to %scan3A_8 step %scan3A_9  : i32 {
      %mul3A_12 = arith.constant 1 : i32
      %mul3A_13 = arith.muli %scan3A_11, %mul3A_12 : i32
      %add3A_14 = arith.constant 0 : i32
      %add3A_15 = arith.addi %add3A_14, %mul3A_13 : i32
      %mul3A_16 = arith.constant 512 : i32
      %mul3A_17 = arith.muli %add3A_15, %mul3A_16 : i32
      %dma_start3A = tpu.memref_slice %arg6[%mul3A_17] : memref<6656xi32, #tpu.memory_space<vmem>> -> memref<512xi32, #tpu.memory_space<vmem>>
      %dma_start3A_18 = arith.constant 0 : i32
      %dma_start3A_19 = arith.constant 0 : i32
      %dma_start3A_20 = tpu.memref_slice %arg2[%dma_start3A_18, %dma_start3A_19] : memref<2031250x64xf32, #tpu.memory_space<hbm>> -> memref<2031250x64xf32, #tpu.memory_space<hbm>>
      tpu.enqueue_indirect_dma source(%dma_start3A_20 : memref<2031250x64xf32, #tpu.memory_space<hbm>>) target(%arg8 : memref<512x64xf32, #tpu.memory_space<vmem>>) offsets(%dma_start3A : memref<512xi32, #tpu.memory_space<vmem>>) semaphore(%arg10 : memref<!tpu.dma_semaphore, #tpu.memory_space<semaphore_mem>>)
      %dma_wait3A = tpu.memref_slice %arg6[%mul3A_17] : memref<6656xi32, #tpu.memory_space<vmem>> -> memref<512xi32, #tpu.memory_space<vmem>>
      %dma_wait3A_21 = arith.constant 0 : i32
      %dma_wait3A_22 = arith.constant 0 : i32
      %dma_wait3A_23 = tpu.memref_slice %arg2[%dma_wait3A_21, %dma_wait3A_22] : memref<2031250x64xf32, #tpu.memory_space<hbm>> -> memref<2031250x64xf32, #tpu.memory_space<hbm>>
      tpu.wait_indirect_dma semaphore(%arg10 : memref<!tpu.dma_semaphore, #tpu.memory_space<semaphore_mem>>) src(%dma_wait3A_23 : memref<2031250x64xf32, #tpu.memory_space<hbm>>) dst(%arg8 : memref<512x64xf32, #tpu.memory_space<vmem>>)
      %scan3A_24 = arith.constant 0 : i32
      %scan3A_25 = arith.constant 16 : i32
      %scan3A_26 = arith.addi %scan3A_24, %scan3A_25 : i32
      %scan3A_27 = arith.constant 1 : i32
      scf.for %scan3A_34 = %scan3A_24 to %scan3A_26 step %scan3A_27  : i32 {
        %mul3A_35 = arith.constant 1 : i32
        %mul3A_36 = arith.muli %scan3A_34, %mul3A_35 : i32
        %add3A_37 = arith.constant 0 : i32
        %add3A_38 = arith.addi %add3A_37, %mul3A_36 : i32
        %mul3A_39 = arith.constant 256 : i32
        %mul3A_40 = arith.muli %add3A_15, %mul3A_39 : i32
        %mul3A_41 = arith.constant 16 : i32
        %mul3A_42 = arith.muli %add3A_38, %mul3A_41 : i32
        %add3A_43 = arith.addi %mul3A_40, %mul3A_42 : i32
        %get3A = arith.index_cast %add3A_43 : i32 to index
        %get3A_44 = tpu.vector_load %arg7[%get3A] {strides = array<i32>} : memref<3328xi32, #tpu.memory_space<vmem>>, vector<16xi32>,
        %mul3A_45 = arith.constant 32 : i32
        %mul3A_46 = arith.muli %add3A_38, %mul3A_45 : i32
        %add3A_47 = vector.broadcast %mul3A_46 : i32 to vector<16xi32>
        %add3A_48 = arith.addi %mul3A_3, %add3A_47 : vector<16xi32>
        %mul3A_49 = arith.constant 800 : i32
        %mul3A_50 = arith.muli %add3A_38, %mul3A_49 : i32
        %add3A_51 = vector.broadcast %mul3A_50 : i32 to vector<16xi32>
        %add3A_52 = arith.addi %mul3A_6, %add3A_51 : vector<16xi32>
        %add3A_53 = arith.constant 0 : i32
        %add3A_54 = vector.broadcast %add3A_53 : i32 to vector<16xi32>
        %add3A_55 = arith.addi %get3A_44, %add3A_54 : vector<16xi32>
        %shift_right_arithmetic3A = arith.constant 6 : i32
        %shift_right_arithmetic3A_56 = vector.broadcast %shift_right_arithmetic3A : i32 to vector<16xi32>
        %shift_right_arithmetic3A_57 = arith.shrsi %add3A_55, %shift_right_arithmetic3A_56 : vector<16xi32>
        %add3A_58 = arith.addi %add3A_48, %shift_right_arithmetic3A_57 : vector<16xi32>
        %and3A = arith.constant 63 : i32
        %and3A_59 = vector.broadcast %and3A : i32 to vector<16xi32>
        %and3A_60 = arith.andi %add3A_55, %and3A_59 : vector<16xi32>
        %gather3A = tpu.vector_load_idx %arg8[%add3A_58, %and3A_60] : memref<512x64xf32, #tpu.memory_space<vmem>>[vector<16xi32>, vector<16xi32>], vector<16xf32>,
        %add3A_61 = arith.constant 0 : i32
        %add3A_62 = vector.broadcast %add3A_61 : i32 to vector<16xi32>
        %add3A_63 = arith.addi %add3A_52, %add3A_62 : vector<16xi32>
        tpu.vector_store_idx %arg9[%add3A_63], %gather3A : memref<12800xf32, #tpu.memory_space<vmem>>[vector<16xi32>], vector<16xf32>,
        %add3A_64 = arith.constant 1 : i32
        %add3A_65 = vector.broadcast %add3A_64 : i32 to vector<16xi32>
        %add3A_66 = arith.addi %get3A_44, %add3A_65 : vector<16xi32>
        %shift_right_arithmetic3A_67 = arith.constant 6 : i32
        %shift_right_arithmetic3A_68 = vector.broadcast %shift_right_arithmetic3A_67 : i32 to vector<16xi32>
        %shift_right_arithmetic3A_69 = arith.shrsi %add3A_66, %shift_right_arithmetic3A_68 : vector<16xi32>
        %add3A_70 = arith.addi %add3A_48, %shift_right_arithmetic3A_69 : vector<16xi32>
        %and3A_71 = arith.constant 63 : i32
        %and3A_72 = vector.broadcast %and3A_71 : i32 to vector<16xi32>
        %and3A_73 = arith.andi %add3A_66, %and3A_72 : vector<16xi32>
        %gather3A_74 = tpu.vector_load_idx %arg8[%add3A_70, %and3A_73] : memref<512x64xf32, #tpu.memory_space<vmem>>[vector<16xi32>, vector<16xi32>], vector<16xf32>,
        %add3A_75 = arith.constant 1 : i32
        %add3A_76 = vector.broadcast %add3A_75 : i32 to vector<16xi32>
        %add3A_77 = arith.addi %add3A_52, %add3A_76 : vector<16xi32>
        tpu.vector_store_idx %arg9[%add3A_77], %gather3A_74 : memref<12800xf32, #tpu.memory_space<vmem>>[vector<16xi32>], vector<16xf32>,
        %add3A_78 = arith.constant 2 : i32
        %add3A_79 = vector.broadcast %add3A_78 : i32 to vector<16xi32>
        %add3A_80 = arith.addi %get3A_44, %add3A_79 : vector<16xi32>
        %shift_right_arithmetic3A_81 = arith.constant 6 : i32
        %shift_right_arithmetic3A_82 = vector.broadcast %shift_right_arithmetic3A_81 : i32 to vector<16xi32>
        %shift_right_arithmetic3A_83 = arith.shrsi %add3A_80, %shift_right_arithmetic3A_82 : vector<16xi32>
        %add3A_84 = arith.addi %add3A_48, %shift_right_arithmetic3A_83 : vector<16xi32>
        %and3A_85 = arith.constant 63 : i32
        %and3A_86 = vector.broadcast %and3A_85 : i32 to vector<16xi32>
        %and3A_87 = arith.andi %add3A_80, %and3A_86 : vector<16xi32>
        %gather3A_88 = tpu.vector_load_idx %arg8[%add3A_84, %and3A_87] : memref<512x64xf32, #tpu.memory_space<vmem>>[vector<16xi32>, vector<16xi32>], vector<16xf32>,
        %add3A_89 = arith.constant 2 : i32
        %add3A_90 = vector.broadcast %add3A_89 : i32 to vector<16xi32>
        %add3A_91 = arith.addi %add3A_52, %add3A_90 : vector<16xi32>
        tpu.vector_store_idx %arg9[%add3A_91], %gather3A_88 : memref<12800xf32, #tpu.memory_space<vmem>>[vector<16xi32>], vector<16xf32>,
        %add3A_92 = arith.constant 3 : i32
        %add3A_93 = vector.broadcast %add3A_92 : i32 to vector<16xi32>
        %add3A_94 = arith.addi %get3A_44, %add3A_93 : vector<16xi32>
        %shift_right_arithmetic3A_95 = arith.constant 6 : i32
        %shift_right_arithmetic3A_96 = vector.broadcast %shift_right_arithmetic3A_95 : i32 to vector<16xi32>
        %shift_right_arithmetic3A_97 = arith.shrsi %add3A_94, %shift_right_arithmetic3A_96 : vector<16xi32>
        %add3A_98 = arith.addi %add3A_48, %shift_right_arithmetic3A_97 : vector<16xi32>
        %and3A_99 = arith.constant 63 : i32
        %and3A_100 = vector.broadcast %and3A_99 : i32 to vector<16xi32>
        %and3A_101 = arith.andi %add3A_94, %and3A_100 : vector<16xi32>
        %gather3A_102 = tpu.vector_load_idx %arg8[%add3A_98, %and3A_101] : memref<512x64xf32, #tpu.memory_space<vmem>>[vector<16xi32>, vector<16xi32>], vector<16xf32>,
        %add3A_103 = arith.constant 3 : i32
        %add3A_104 = vector.broadcast %add3A_103 : i32 to vector<16xi32>
        %add3A_105 = arith.addi %add3A_52, %add3A_104 : vector<16xi32>
        tpu.vector_store_idx %arg9[%add3A_105], %gather3A_102 : memref<12800xf32, #tpu.memory_space<vmem>>[vector<16xi32>], vector<16xf32>,
        %add3A_106 = arith.constant 4 : i32
        %add3A_107 = vector.broadcast %add3A_106 : i32 to vector<16xi32>
        %add3A_108 = arith.addi %get3A_44, %add3A_107 : vector<16xi32>
        %shift_right_arithmetic3A_109 = arith.constant 6 : i32
        %shift_right_arithmetic3A_110 = vector.broadcast %shift_right_arithmetic3A_109 : i32 to vector<16xi32>
        %shift_right_arithmetic3A_111 = arith.shrsi %add3A_108, %shift_right_arithmetic3A_110 : vector<16xi32>
        %add3A_112 = arith.addi %add3A_48, %shift_right_arithmetic3A_111 : vector<16xi32>
        %and3A_113 = arith.constant 63 : i32
        %and3A_114 = vector.broadcast %and3A_113 : i32 to vector<16xi32>
        %and3A_115 = arith.andi %add3A_108, %and3A_114 : vector<16xi32>
        %gather3A_116 = tpu.vector_load_idx %arg8[%add3A_112, %and3A_115] : memref<512x64xf32, #tpu.memory_space<vmem>>[vector<16xi32>, vector<16xi32>], vector<16xf32>,
        %add3A_117 = arith.constant 4 : i32
        %add3A_118 = vector.broadcast %add3A_117 : i32 to vector<16xi32>
        %add3A_119 = arith.addi %add3A_52, %add3A_118 : vector<16xi32>
        tpu.vector_store_idx %arg9[%add3A_119], %gather3A_116 : memref<12800xf32, #tpu.memory_space<vmem>>[vector<16xi32>], vector<16xf32>,
        %add3A_120 = arith.constant 5 : i32
        %add3A_121 = vector.broadcast %add3A_120 : i32 to vector<16xi32>
        %add3A_122 = arith.addi %get3A_44, %add3A_121 : vector<16xi32>
        %shift_right_arithmetic3A_123 = arith.constant 6 : i32
        %shift_right_arithmetic3A_124 = vector.broadcast %shift_right_arithmetic3A_123 : i32 to vector<16xi32>
        %shift_right_arithmetic3A_125 = arith.shrsi %add3A_122, %shift_right_arithmetic3A_124 : vector<16xi32>
        %add3A_126 = arith.addi %add3A_48, %shift_right_arithmetic3A_125 : vector<16xi32>
        %and3A_127 = arith.constant 63 : i32
        %and3A_128 = vector.broadcast %and3A_127 : i32 to vector<16xi32>
        %and3A_129 = arith.andi %add3A_122, %and3A_128 : vector<16xi32>
        %gather3A_130 = tpu.vector_load_idx %arg8[%add3A_126, %and3A_129] : memref<512x64xf32, #tpu.memory_space<vmem>>[vector<16xi32>, vector<16xi32>], vector<16xf32>,
        %add3A_131 = arith.constant 5 : i32
        %add3A_132 = vector.broadcast %add3A_131 : i32 to vector<16xi32>
        %add3A_133 = arith.addi %add3A_52, %add3A_132 : vector<16xi32>
        tpu.vector_store_idx %arg9[%add3A_133], %gather3A_130 : memref<12800xf32, #tpu.memory_space<vmem>>[vector<16xi32>], vector<16xf32>,
        %add3A_134 = arith.constant 6 : i32
        %add3A_135 = vector.broadcast %add3A_134 : i32 to vector<16xi32>
        %add3A_136 = arith.addi %get3A_44, %add3A_135 : vector<16xi32>
        %shift_right_arithmetic3A_137 = arith.constant 6 : i32
        %shift_right_arithmetic3A_138 = vector.broadcast %shift_right_arithmetic3A_137 : i32 to vector<16xi32>
        %shift_right_arithmetic3A_139 = arith.shrsi %add3A_136, %shift_right_arithmetic3A_138 : vector<16xi32>
        %add3A_140 = arith.addi %add3A_48, %shift_right_arithmetic3A_139 : vector<16xi32>
        %and3A_141 = arith.constant 63 : i32
        %and3A_142 = vector.broadcast %and3A_141 : i32 to vector<16xi32>
        %and3A_143 = arith.andi %add3A_136, %and3A_142 : vector<16xi32>
        %gather3A_144 = tpu.vector_load_idx %arg8[%add3A_140, %and3A_143] : memref<512x64xf32, #tpu.memory_space<vmem>>[vector<16xi32>, vector<16xi32>], vector<16xf32>,
        %add3A_145 = arith.constant 6 : i32
        %add3A_146 = vector.broadcast %add3A_145 : i32 to vector<16xi32>
        %add3A_147 = arith.addi %add3A_52, %add3A_146 : vector<16xi32>
        tpu.vector_store_idx %arg9[%add3A_147], %gather3A_144 : memref<12800xf32, #tpu.memory_space<vmem>>[vector<16xi32>], vector<16xf32>,
        %add3A_148 = arith.constant 7 : i32
        %add3A_149 = vector.broadcast %add3A_148 : i32 to vector<16xi32>
        %add3A_150 = arith.addi %get3A_44, %add3A_149 : vector<16xi32>
        %shift_right_arithmetic3A_151 = arith.constant 6 : i32
        %shift_right_arithmetic3A_152 = vector.broadcast %shift_right_arithmetic3A_151 : i32 to vector<16xi32>
        %shift_right_arithmetic3A_153 = arith.shrsi %add3A_150, %shift_right_arithmetic3A_152 : vector<16xi32>
        %add3A_154 = arith.addi %add3A_48, %shift_right_arithmetic3A_153 : vector<16xi32>
        %and3A_155 = arith.constant 63 : i32
        %and3A_156 = vector.broadcast %and3A_155 : i32 to vector<16xi32>
        %and3A_157 = arith.andi %add3A_150, %and3A_156 : vector<16xi32>
        %gather3A_158 = tpu.vector_load_idx %arg8[%add3A_154, %and3A_157] : memref<512x64xf32, #tpu.memory_space<vmem>>[vector<16xi32>, vector<16xi32>], vector<16xf32>,
        %add3A_159 = arith.constant 7 : i32
        %add3A_160 = vector.broadcast %add3A_159 : i32 to vector<16xi32>
        %add3A_161 = arith.addi %add3A_52, %add3A_160 : vector<16xi32>
        tpu.vector_store_idx %arg9[%add3A_161], %gather3A_158 : memref<12800xf32, #tpu.memory_space<vmem>>[vector<16xi32>], vector<16xf32>,
        %add3A_162 = arith.constant 8 : i32
        %add3A_163 = vector.broadcast %add3A_162 : i32 to vector<16xi32>
        %add3A_164 = arith.addi %get3A_44, %add3A_163 : vector<16xi32>
        %shift_right_arithmetic3A_165 = arith.constant 6 : i32
        %shift_right_arithmetic3A_166 = vector.broadcast %shift_right_arithmetic3A_165 : i32 to vector<16xi32>
        %shift_right_arithmetic3A_167 = arith.shrsi %add3A_164, %shift_right_arithmetic3A_166 : vector<16xi32>
        %add3A_168 = arith.addi %add3A_48, %shift_right_arithmetic3A_167 : vector<16xi32>
        %and3A_169 = arith.constant 63 : i32
        %and3A_170 = vector.broadcast %and3A_169 : i32 to vector<16xi32>
        %and3A_171 = arith.andi %add3A_164, %and3A_170 : vector<16xi32>
        %gather3A_172 = tpu.vector_load_idx %arg8[%add3A_168, %and3A_171] : memref<512x64xf32, #tpu.memory_space<vmem>>[vector<16xi32>, vector<16xi32>], vector<16xf32>,
        %add3A_173 = arith.constant 8 : i32
        %add3A_174 = vector.broadcast %add3A_173 : i32 to vector<16xi32>
        %add3A_175 = arith.addi %add3A_52, %add3A_174 : vector<16xi32>
        tpu.vector_store_idx %arg9[%add3A_175], %gather3A_172 : memref<12800xf32, #tpu.memory_space<vmem>>[vector<16xi32>], vector<16xf32>,
        %add3A_176 = arith.constant 9 : i32
        %add3A_177 = vector.broadcast %add3A_176 : i32 to vector<16xi32>
        %add3A_178 = arith.addi %get3A_44, %add3A_177 : vector<16xi32>
        %shift_right_arithmetic3A_179 = arith.constant 6 : i32
        %shift_right_arithmetic3A_180 = vector.broadcast %shift_right_arithmetic3A_179 : i32 to vector<16xi32>
        %shift_right_arithmetic3A_181 = arith.shrsi %add3A_178, %shift_right_arithmetic3A_180 : vector<16xi32>
        %add3A_182 = arith.addi %add3A_48, %shift_right_arithmetic3A_181 : vector<16xi32>
        %and3A_183 = arith.constant 63 : i32
        %and3A_184 = vector.broadcast %and3A_183 : i32 to vector<16xi32>
        %and3A_185 = arith.andi %add3A_178, %and3A_184 : vector<16xi32>
        %gather3A_186 = tpu.vector_load_idx %arg8[%add3A_182, %and3A_185] : memref<512x64xf32, #tpu.memory_space<vmem>>[vector<16xi32>, vector<16xi32>], vector<16xf32>,
        %add3A_187 = arith.constant 9 : i32
        %add3A_188 = vector.broadcast %add3A_187 : i32 to vector<16xi32>
        %add3A_189 = arith.addi %add3A_52, %add3A_188 : vector<16xi32>
        tpu.vector_store_idx %arg9[%add3A_189], %gather3A_186 : memref<12800xf32, #tpu.memory_space<vmem>>[vector<16xi32>], vector<16xf32>,
        %add3A_190 = arith.constant 10 : i32
        %add3A_191 = vector.broadcast %add3A_190 : i32 to vector<16xi32>
        %add3A_192 = arith.addi %get3A_44, %add3A_191 : vector<16xi32>
        %shift_right_arithmetic3A_193 = arith.constant 6 : i32
        %shift_right_arithmetic3A_194 = vector.broadcast %shift_right_arithmetic3A_193 : i32 to vector<16xi32>
        %shift_right_arithmetic3A_195 = arith.shrsi %add3A_192, %shift_right_arithmetic3A_194 : vector<16xi32>
        %add3A_196 = arith.addi %add3A_48, %shift_right_arithmetic3A_195 : vector<16xi32>
        %and3A_197 = arith.constant 63 : i32
        %and3A_198 = vector.broadcast %and3A_197 : i32 to vector<16xi32>
        %and3A_199 = arith.andi %add3A_192, %and3A_198 : vector<16xi32>
        %gather3A_200 = tpu.vector_load_idx %arg8[%add3A_196, %and3A_199] : memref<512x64xf32, #tpu.memory_space<vmem>>[vector<16xi32>, vector<16xi32>], vector<16xf32>,
        %add3A_201 = arith.constant 10 : i32
        %add3A_202 = vector.broadcast %add3A_201 : i32 to vector<16xi32>
        %add3A_203 = arith.addi %add3A_52, %add3A_202 : vector<16xi32>
        tpu.vector_store_idx %arg9[%add3A_203], %gather3A_200 : memref<12800xf32, #tpu.memory_space<vmem>>[vector<16xi32>], vector<16xf32>,
        %add3A_204 = arith.constant 11 : i32
        %add3A_205 = vector.broadcast %add3A_204 : i32 to vector<16xi32>
        %add3A_206 = arith.addi %get3A_44, %add3A_205 : vector<16xi32>
        %shift_right_arithmetic3A_207 = arith.constant 6 : i32
        %shift_right_arithmetic3A_208 = vector.broadcast %shift_right_arithmetic3A_207 : i32 to vector<16xi32>
        %shift_right_arithmetic3A_209 = arith.shrsi %add3A_206, %shift_right_arithmetic3A_208 : vector<16xi32>
        %add3A_210 = arith.addi %add3A_48, %shift_right_arithmetic3A_209 : vector<16xi32>
        %and3A_211 = arith.constant 63 : i32
        %and3A_212 = vector.broadcast %and3A_211 : i32 to vector<16xi32>
        %and3A_213 = arith.andi %add3A_206, %and3A_212 : vector<16xi32>
        %gather3A_214 = tpu.vector_load_idx %arg8[%add3A_210, %and3A_213] : memref<512x64xf32, #tpu.memory_space<vmem>>[vector<16xi32>, vector<16xi32>], vector<16xf32>,
        %add3A_215 = arith.constant 11 : i32
        %add3A_216 = vector.broadcast %add3A_215 : i32 to vector<16xi32>
        %add3A_217 = arith.addi %add3A_52, %add3A_216 : vector<16xi32>
        tpu.vector_store_idx %arg9[%add3A_217], %gather3A_214 : memref<12800xf32, #tpu.memory_space<vmem>>[vector<16xi32>], vector<16xf32>,
        %add3A_218 = arith.constant 12 : i32
        %add3A_219 = vector.broadcast %add3A_218 : i32 to vector<16xi32>
        %add3A_220 = arith.addi %get3A_44, %add3A_219 : vector<16xi32>
        %shift_right_arithmetic3A_221 = arith.constant 6 : i32
        %shift_right_arithmetic3A_222 = vector.broadcast %shift_right_arithmetic3A_221 : i32 to vector<16xi32>
        %shift_right_arithmetic3A_223 = arith.shrsi %add3A_220, %shift_right_arithmetic3A_222 : vector<16xi32>
        %add3A_224 = arith.addi %add3A_48, %shift_right_arithmetic3A_223 : vector<16xi32>
        %and3A_225 = arith.constant 63 : i32
        %and3A_226 = vector.broadcast %and3A_225 : i32 to vector<16xi32>
        %and3A_227 = arith.andi %add3A_220, %and3A_226 : vector<16xi32>
        %gather3A_228 = tpu.vector_load_idx %arg8[%add3A_224, %and3A_227] : memref<512x64xf32, #tpu.memory_space<vmem>>[vector<16xi32>, vector<16xi32>], vector<16xf32>,
        %add3A_229 = arith.constant 12 : i32
        %add3A_230 = vector.broadcast %add3A_229 : i32 to vector<16xi32>
        %add3A_231 = arith.addi %add3A_52, %add3A_230 : vector<16xi32>
        tpu.vector_store_idx %arg9[%add3A_231], %gather3A_228 : memref<12800xf32, #tpu.memory_space<vmem>>[vector<16xi32>], vector<16xf32>,
        %add3A_232 = arith.constant 13 : i32
        %add3A_233 = vector.broadcast %add3A_232 : i32 to vector<16xi32>
        %add3A_234 = arith.addi %get3A_44, %add3A_233 : vector<16xi32>
        %shift_right_arithmetic3A_235 = arith.constant 6 : i32
        %shift_right_arithmetic3A_236 = vector.broadcast %shift_right_arithmetic3A_235 : i32 to vector<16xi32>
        %shift_right_arithmetic3A_237 = arith.shrsi %add3A_234, %shift_right_arithmetic3A_236 : vector<16xi32>
        %add3A_238 = arith.addi %add3A_48, %shift_right_arithmetic3A_237 : vector<16xi32>
        %and3A_239 = arith.constant 63 : i32
        %and3A_240 = vector.broadcast %and3A_239 : i32 to vector<16xi32>
        %and3A_241 = arith.andi %add3A_234, %and3A_240 : vector<16xi32>
        %gather3A_242 = tpu.vector_load_idx %arg8[%add3A_238, %and3A_241] : memref<512x64xf32, #tpu.memory_space<vmem>>[vector<16xi32>, vector<16xi32>], vector<16xf32>,
        %add3A_243 = arith.constant 13 : i32
        %add3A_244 = vector.broadcast %add3A_243 : i32 to vector<16xi32>
        %add3A_245 = arith.addi %add3A_52, %add3A_244 : vector<16xi32>
        tpu.vector_store_idx %arg9[%add3A_245], %gather3A_242 : memref<12800xf32, #tpu.memory_space<vmem>>[vector<16xi32>], vector<16xf32>,
        %add3A_246 = arith.constant 14 : i32
        %add3A_247 = vector.broadcast %add3A_246 : i32 to vector<16xi32>
        %add3A_248 = arith.addi %get3A_44, %add3A_247 : vector<16xi32>
        %shift_right_arithmetic3A_249 = arith.constant 6 : i32
        %shift_right_arithmetic3A_250 = vector.broadcast %shift_right_arithmetic3A_249 : i32 to vector<16xi32>
        %shift_right_arithmetic3A_251 = arith.shrsi %add3A_248, %shift_right_arithmetic3A_250 : vector<16xi32>
        %add3A_252 = arith.addi %add3A_48, %shift_right_arithmetic3A_251 : vector<16xi32>
        %and3A_253 = arith.constant 63 : i32
        %and3A_254 = vector.broadcast %and3A_253 : i32 to vector<16xi32>
        %and3A_255 = arith.andi %add3A_248, %and3A_254 : vector<16xi32>
        %gather3A_256 = tpu.vector_load_idx %arg8[%add3A_252, %and3A_255] : memref<512x64xf32, #tpu.memory_space<vmem>>[vector<16xi32>, vector<16xi32>], vector<16xf32>,
        %add3A_257 = arith.constant 14 : i32
        %add3A_258 = vector.broadcast %add3A_257 : i32 to vector<16xi32>
        %add3A_259 = arith.addi %add3A_52, %add3A_258 : vector<16xi32>
        tpu.vector_store_idx %arg9[%add3A_259], %gather3A_256 : memref<12800xf32, #tpu.memory_space<vmem>>[vector<16xi32>], vector<16xf32>,
        %add3A_260 = arith.constant 15 : i32
        %add3A_261 = vector.broadcast %add3A_260 : i32 to vector<16xi32>
        %add3A_262 = arith.addi %get3A_44, %add3A_261 : vector<16xi32>
        %shift_right_arithmetic3A_263 = arith.constant 6 : i32
        %shift_right_arithmetic3A_264 = vector.broadcast %shift_right_arithmetic3A_263 : i32 to vector<16xi32>
        %shift_right_arithmetic3A_265 = arith.shrsi %add3A_262, %shift_right_arithmetic3A_264 : vector<16xi32>
        %add3A_266 = arith.addi %add3A_48, %shift_right_arithmetic3A_265 : vector<16xi32>
        %and3A_267 = arith.constant 63 : i32
        %and3A_268 = vector.broadcast %and3A_267 : i32 to vector<16xi32>
        %and3A_269 = arith.andi %add3A_262, %and3A_268 : vector<16xi32>
        %gather3A_270 = tpu.vector_load_idx %arg8[%add3A_266, %and3A_269] : memref<512x64xf32, #tpu.memory_space<vmem>>[vector<16xi32>, vector<16xi32>], vector<16xf32>,
        %add3A_271 = arith.constant 15 : i32
        %add3A_272 = vector.broadcast %add3A_271 : i32 to vector<16xi32>
        %add3A_273 = arith.addi %add3A_52, %add3A_272 : vector<16xi32>
        tpu.vector_store_idx %arg9[%add3A_273], %gather3A_270 : memref<12800xf32, #tpu.memory_space<vmem>>[vector<16xi32>], vector<16xf32>,
        %add3A_274 = arith.constant 16 : i32
        %add3A_275 = vector.broadcast %add3A_274 : i32 to vector<16xi32>
        %add3A_276 = arith.addi %get3A_44, %add3A_275 : vector<16xi32>
        %shift_right_arithmetic3A_277 = arith.constant 6 : i32
        %shift_right_arithmetic3A_278 = vector.broadcast %shift_right_arithmetic3A_277 : i32 to vector<16xi32>
        %shift_right_arithmetic3A_279 = arith.shrsi %add3A_276, %shift_right_arithmetic3A_278 : vector<16xi32>
        %add3A_280 = arith.addi %add3A_48, %shift_right_arithmetic3A_279 : vector<16xi32>
        %and3A_281 = arith.constant 63 : i32
        %and3A_282 = vector.broadcast %and3A_281 : i32 to vector<16xi32>
        %and3A_283 = arith.andi %add3A_276, %and3A_282 : vector<16xi32>
        %gather3A_284 = tpu.vector_load_idx %arg8[%add3A_280, %and3A_283] : memref<512x64xf32, #tpu.memory_space<vmem>>[vector<16xi32>, vector<16xi32>], vector<16xf32>,
        %add3A_285 = arith.constant 16 : i32
        %add3A_286 = vector.broadcast %add3A_285 : i32 to vector<16xi32>
        %add3A_287 = arith.addi %add3A_52, %add3A_286 : vector<16xi32>
        tpu.vector_store_idx %arg9[%add3A_287], %gather3A_284 : memref<12800xf32, #tpu.memory_space<vmem>>[vector<16xi32>], vector<16xf32>,
        %add3A_288 = arith.constant 17 : i32
        %add3A_289 = vector.broadcast %add3A_288 : i32 to vector<16xi32>
        %add3A_290 = arith.addi %get3A_44, %add3A_289 : vector<16xi32>
        %shift_right_arithmetic3A_291 = arith.constant 6 : i32
        %shift_right_arithmetic3A_292 = vector.broadcast %shift_right_arithmetic3A_291 : i32 to vector<16xi32>
        %shift_right_arithmetic3A_293 = arith.shrsi %add3A_290, %shift_right_arithmetic3A_292 : vector<16xi32>
        %add3A_294 = arith.addi %add3A_48, %shift_right_arithmetic3A_293 : vector<16xi32>
        %and3A_295 = arith.constant 63 : i32
        %and3A_296 = vector.broadcast %and3A_295 : i32 to vector<16xi32>
        %and3A_297 = arith.andi %add3A_290, %and3A_296 : vector<16xi32>
        %gather3A_298 = tpu.vector_load_idx %arg8[%add3A_294, %and3A_297] : memref<512x64xf32, #tpu.memory_space<vmem>>[vector<16xi32>, vector<16xi32>], vector<16xf32>,
        %add3A_299 = arith.constant 17 : i32
        %add3A_300 = vector.broadcast %add3A_299 : i32 to vector<16xi32>
        %add3A_301 = arith.addi %add3A_52, %add3A_300 : vector<16xi32>
        tpu.vector_store_idx %arg9[%add3A_301], %gather3A_298 : memref<12800xf32, #tpu.memory_space<vmem>>[vector<16xi32>], vector<16xf32>,
        %add3A_302 = arith.constant 18 : i32
        %add3A_303 = vector.broadcast %add3A_302 : i32 to vector<16xi32>
        %add3A_304 = arith.addi %get3A_44, %add3A_303 : vector<16xi32>
        %shift_right_arithmetic3A_305 = arith.constant 6 : i32
        %shift_right_arithmetic3A_306 = vector.broadcast %shift_right_arithmetic3A_305 : i32 to vector<16xi32>
        %shift_right_arithmetic3A_307 = arith.shrsi %add3A_304, %shift_right_arithmetic3A_306 : vector<16xi32>
        %add3A_308 = arith.addi %add3A_48, %shift_right_arithmetic3A_307 : vector<16xi32>
        %and3A_309 = arith.constant 63 : i32
        %and3A_310 = vector.broadcast %and3A_309 : i32 to vector<16xi32>
        %and3A_311 = arith.andi %add3A_304, %and3A_310 : vector<16xi32>
        %gather3A_312 = tpu.vector_load_idx %arg8[%add3A_308, %and3A_311] : memref<512x64xf32, #tpu.memory_space<vmem>>[vector<16xi32>, vector<16xi32>], vector<16xf32>,
        %add3A_313 = arith.constant 18 : i32
        %add3A_314 = vector.broadcast %add3A_313 : i32 to vector<16xi32>
        %add3A_315 = arith.addi %add3A_52, %add3A_314 : vector<16xi32>
        tpu.vector_store_idx %arg9[%add3A_315], %gather3A_312 : memref<12800xf32, #tpu.memory_space<vmem>>[vector<16xi32>], vector<16xf32>,
        %add3A_316 = arith.constant 19 : i32
        %add3A_317 = vector.broadcast %add3A_316 : i32 to vector<16xi32>
        %add3A_318 = arith.addi %get3A_44, %add3A_317 : vector<16xi32>
        %shift_right_arithmetic3A_319 = arith.constant 6 : i32
        %shift_right_arithmetic3A_320 = vector.broadcast %shift_right_arithmetic3A_319 : i32 to vector<16xi32>
        %shift_right_arithmetic3A_321 = arith.shrsi %add3A_318, %shift_right_arithmetic3A_320 : vector<16xi32>
        %add3A_322 = arith.addi %add3A_48, %shift_right_arithmetic3A_321 : vector<16xi32>
        %and3A_323 = arith.constant 63 : i32
        %and3A_324 = vector.broadcast %and3A_323 : i32 to vector<16xi32>
        %and3A_325 = arith.andi %add3A_318, %and3A_324 : vector<16xi32>
        %gather3A_326 = tpu.vector_load_idx %arg8[%add3A_322, %and3A_325] : memref<512x64xf32, #tpu.memory_space<vmem>>[vector<16xi32>, vector<16xi32>], vector<16xf32>,
        %add3A_327 = arith.constant 19 : i32
        %add3A_328 = vector.broadcast %add3A_327 : i32 to vector<16xi32>
        %add3A_329 = arith.addi %add3A_52, %add3A_328 : vector<16xi32>
        tpu.vector_store_idx %arg9[%add3A_329], %gather3A_326 : memref<12800xf32, #tpu.memory_space<vmem>>[vector<16xi32>], vector<16xf32>,
        %add3A_330 = arith.constant 20 : i32
        %add3A_331 = vector.broadcast %add3A_330 : i32 to vector<16xi32>
        %add3A_332 = arith.addi %get3A_44, %add3A_331 : vector<16xi32>
        %shift_right_arithmetic3A_333 = arith.constant 6 : i32
        %shift_right_arithmetic3A_334 = vector.broadcast %shift_right_arithmetic3A_333 : i32 to vector<16xi32>
        %shift_right_arithmetic3A_335 = arith.shrsi %add3A_332, %shift_right_arithmetic3A_334 : vector<16xi32>
        %add3A_336 = arith.addi %add3A_48, %shift_right_arithmetic3A_335 : vector<16xi32>
        %and3A_337 = arith.constant 63 : i32
        %and3A_338 = vector.broadcast %and3A_337 : i32 to vector<16xi32>
        %and3A_339 = arith.andi %add3A_332, %and3A_338 : vector<16xi32>
        %gather3A_340 = tpu.vector_load_idx %arg8[%add3A_336, %and3A_339] : memref<512x64xf32, #tpu.memory_space<vmem>>[vector<16xi32>, vector<16xi32>], vector<16xf32>,
        %add3A_341 = arith.constant 20 : i32
        %add3A_342 = vector.broadcast %add3A_341 : i32 to vector<16xi32>
        %add3A_343 = arith.addi %add3A_52, %add3A_342 : vector<16xi32>
        tpu.vector_store_idx %arg9[%add3A_343], %gather3A_340 : memref<12800xf32, #tpu.memory_space<vmem>>[vector<16xi32>], vector<16xf32>,
        %add3A_344 = arith.constant 21 : i32
        %add3A_345 = vector.broadcast %add3A_344 : i32 to vector<16xi32>
        %add3A_346 = arith.addi %get3A_44, %add3A_345 : vector<16xi32>
        %shift_right_arithmetic3A_347 = arith.constant 6 : i32
        %shift_right_arithmetic3A_348 = vector.broadcast %shift_right_arithmetic3A_347 : i32 to vector<16xi32>
        %shift_right_arithmetic3A_349 = arith.shrsi %add3A_346, %shift_right_arithmetic3A_348 : vector<16xi32>
        %add3A_350 = arith.addi %add3A_48, %shift_right_arithmetic3A_349 : vector<16xi32>
        %and3A_351 = arith.constant 63 : i32
        %and3A_352 = vector.broadcast %and3A_351 : i32 to vector<16xi32>
        %and3A_353 = arith.andi %add3A_346, %and3A_352 : vector<16xi32>
        %gather3A_354 = tpu.vector_load_idx %arg8[%add3A_350, %and3A_353] : memref<512x64xf32, #tpu.memory_space<vmem>>[vector<16xi32>, vector<16xi32>], vector<16xf32>,
        %add3A_355 = arith.constant 21 : i32
        %add3A_356 = vector.broadcast %add3A_355 : i32 to vector<16xi32>
        %add3A_357 = arith.addi %add3A_52, %add3A_356 : vector<16xi32>
        tpu.vector_store_idx %arg9[%add3A_357], %gather3A_354 : memref<12800xf32, #tpu.memory_space<vmem>>[vector<16xi32>], vector<16xf32>,
        %add3A_358 = arith.constant 22 : i32
        %add3A_359 = vector.broadcast %add3A_358 : i32 to vector<16xi32>
        %add3A_360 = arith.addi %get3A_44, %add3A_359 : vector<16xi32>
        %shift_right_arithmetic3A_361 = arith.constant 6 : i32
        %shift_right_arithmetic3A_362 = vector.broadcast %shift_right_arithmetic3A_361 : i32 to vector<16xi32>
        %shift_right_arithmetic3A_363 = arith.shrsi %add3A_360, %shift_right_arithmetic3A_362 : vector<16xi32>
        %add3A_364 = arith.addi %add3A_48, %shift_right_arithmetic3A_363 : vector<16xi32>
        %and3A_365 = arith.constant 63 : i32
        %and3A_366 = vector.broadcast %and3A_365 : i32 to vector<16xi32>
        %and3A_367 = arith.andi %add3A_360, %and3A_366 : vector<16xi32>
        %gather3A_368 = tpu.vector_load_idx %arg8[%add3A_364, %and3A_367] : memref<512x64xf32, #tpu.memory_space<vmem>>[vector<16xi32>, vector<16xi32>], vector<16xf32>,
        %add3A_369 = arith.constant 22 : i32
        %add3A_370 = vector.broadcast %add3A_369 : i32 to vector<16xi32>
        %add3A_371 = arith.addi %add3A_52, %add3A_370 : vector<16xi32>
        tpu.vector_store_idx %arg9[%add3A_371], %gather3A_368 : memref<12800xf32, #tpu.memory_space<vmem>>[vector<16xi32>], vector<16xf32>,
        %add3A_372 = arith.constant 23 : i32
        %add3A_373 = vector.broadcast %add3A_372 : i32 to vector<16xi32>
        %add3A_374 = arith.addi %get3A_44, %add3A_373 : vector<16xi32>
        %shift_right_arithmetic3A_375 = arith.constant 6 : i32
        %shift_right_arithmetic3A_376 = vector.broadcast %shift_right_arithmetic3A_375 : i32 to vector<16xi32>
        %shift_right_arithmetic3A_377 = arith.shrsi %add3A_374, %shift_right_arithmetic3A_376 : vector<16xi32>
        %add3A_378 = arith.addi %add3A_48, %shift_right_arithmetic3A_377 : vector<16xi32>
        %and3A_379 = arith.constant 63 : i32
        %and3A_380 = vector.broadcast %and3A_379 : i32 to vector<16xi32>
        %and3A_381 = arith.andi %add3A_374, %and3A_380 : vector<16xi32>
        %gather3A_382 = tpu.vector_load_idx %arg8[%add3A_378, %and3A_381] : memref<512x64xf32, #tpu.memory_space<vmem>>[vector<16xi32>, vector<16xi32>], vector<16xf32>,
        %add3A_383 = arith.constant 23 : i32
        %add3A_384 = vector.broadcast %add3A_383 : i32 to vector<16xi32>
        %add3A_385 = arith.addi %add3A_52, %add3A_384 : vector<16xi32>
        tpu.vector_store_idx %arg9[%add3A_385], %gather3A_382 : memref<12800xf32, #tpu.memory_space<vmem>>[vector<16xi32>], vector<16xf32>,
        %add3A_386 = arith.constant 24 : i32
        %add3A_387 = vector.broadcast %add3A_386 : i32 to vector<16xi32>
        %add3A_388 = arith.addi %get3A_44, %add3A_387 : vector<16xi32>
        %shift_right_arithmetic3A_389 = arith.constant 6 : i32
        %shift_right_arithmetic3A_390 = vector.broadcast %shift_right_arithmetic3A_389 : i32 to vector<16xi32>
        %shift_right_arithmetic3A_391 = arith.shrsi %add3A_388, %shift_right_arithmetic3A_390 : vector<16xi32>
        %add3A_392 = arith.addi %add3A_48, %shift_right_arithmetic3A_391 : vector<16xi32>
        %and3A_393 = arith.constant 63 : i32
        %and3A_394 = vector.broadcast %and3A_393 : i32 to vector<16xi32>
        %and3A_395 = arith.andi %add3A_388, %and3A_394 : vector<16xi32>
        %gather3A_396 = tpu.vector_load_idx %arg8[%add3A_392, %and3A_395] : memref<512x64xf32, #tpu.memory_space<vmem>>[vector<16xi32>, vector<16xi32>], vector<16xf32>,
        %add3A_397 = arith.constant 24 : i32
        %add3A_398 = vector.broadcast %add3A_397 : i32 to vector<16xi32>
        %add3A_399 = arith.addi %add3A_52, %add3A_398 : vector<16xi32>
        tpu.vector_store_idx %arg9[%add3A_399], %gather3A_396 : memref<12800xf32, #tpu.memory_space<vmem>>[vector<16xi32>], vector<16xf32>,
        %add3A_400 = arith.constant 25 : i32
        %add3A_401 = vector.broadcast %add3A_400 : i32 to vector<16xi32>
        %add3A_402 = arith.addi %get3A_44, %add3A_401 : vector<16xi32>
        %shift_right_arithmetic3A_403 = arith.constant 6 : i32
        %shift_right_arithmetic3A_404 = vector.broadcast %shift_right_arithmetic3A_403 : i32 to vector<16xi32>
        %shift_right_arithmetic3A_405 = arith.shrsi %add3A_402, %shift_right_arithmetic3A_404 : vector<16xi32>
        %add3A_406 = arith.addi %add3A_48, %shift_right_arithmetic3A_405 : vector<16xi32>
        %and3A_407 = arith.constant 63 : i32
        %and3A_408 = vector.broadcast %and3A_407 : i32 to vector<16xi32>
        %and3A_409 = arith.andi %add3A_402, %and3A_408 : vector<16xi32>
        %gather3A_410 = tpu.vector_load_idx %arg8[%add3A_406, %and3A_409] : memref<512x64xf32, #tpu.memory_space<vmem>>[vector<16xi32>, vector<16xi32>], vector<16xf32>,
        %add3A_411 = arith.constant 25 : i32
        %add3A_412 = vector.broadcast %add3A_411 : i32 to vector<16xi32>
        %add3A_413 = arith.addi %add3A_52, %add3A_412 : vector<16xi32>
        tpu.vector_store_idx %arg9[%add3A_413], %gather3A_410 : memref<12800xf32, #tpu.memory_space<vmem>>[vector<16xi32>], vector<16xf32>,
        %add3A_414 = arith.constant 26 : i32
        %add3A_415 = vector.broadcast %add3A_414 : i32 to vector<16xi32>
        %add3A_416 = arith.addi %get3A_44, %add3A_415 : vector<16xi32>
        %shift_right_arithmetic3A_417 = arith.constant 6 : i32
        %shift_right_arithmetic3A_418 = vector.broadcast %shift_right_arithmetic3A_417 : i32 to vector<16xi32>
        %shift_right_arithmetic3A_419 = arith.shrsi %add3A_416, %shift_right_arithmetic3A_418 : vector<16xi32>
        %add3A_420 = arith.addi %add3A_48, %shift_right_arithmetic3A_419 : vector<16xi32>
        %and3A_421 = arith.constant 63 : i32
        %and3A_422 = vector.broadcast %and3A_421 : i32 to vector<16xi32>
        %and3A_423 = arith.andi %add3A_416, %and3A_422 : vector<16xi32>
        %gather3A_424 = tpu.vector_load_idx %arg8[%add3A_420, %and3A_423] : memref<512x64xf32, #tpu.memory_space<vmem>>[vector<16xi32>, vector<16xi32>], vector<16xf32>,
        %add3A_425 = arith.constant 26 : i32
        %add3A_426 = vector.broadcast %add3A_425 : i32 to vector<16xi32>
        %add3A_427 = arith.addi %add3A_52, %add3A_426 : vector<16xi32>
        tpu.vector_store_idx %arg9[%add3A_427], %gather3A_424 : memref<12800xf32, #tpu.memory_space<vmem>>[vector<16xi32>], vector<16xf32>,
        %add3A_428 = arith.constant 27 : i32
        %add3A_429 = vector.broadcast %add3A_428 : i32 to vector<16xi32>
        %add3A_430 = arith.addi %get3A_44, %add3A_429 : vector<16xi32>
        %shift_right_arithmetic3A_431 = arith.constant 6 : i32
        %shift_right_arithmetic3A_432 = vector.broadcast %shift_right_arithmetic3A_431 : i32 to vector<16xi32>
        %shift_right_arithmetic3A_433 = arith.shrsi %add3A_430, %shift_right_arithmetic3A_432 : vector<16xi32>
        %add3A_434 = arith.addi %add3A_48, %shift_right_arithmetic3A_433 : vector<16xi32>
        %and3A_435 = arith.constant 63 : i32
        %and3A_436 = vector.broadcast %and3A_435 : i32 to vector<16xi32>
        %and3A_437 = arith.andi %add3A_430, %and3A_436 : vector<16xi32>
        %gather3A_438 = tpu.vector_load_idx %arg8[%add3A_434, %and3A_437] : memref<512x64xf32, #tpu.memory_space<vmem>>[vector<16xi32>, vector<16xi32>], vector<16xf32>,
        %add3A_439 = arith.constant 27 : i32
        %add3A_440 = vector.broadcast %add3A_439 : i32 to vector<16xi32>
        %add3A_441 = arith.addi %add3A_52, %add3A_440 : vector<16xi32>
        tpu.vector_store_idx %arg9[%add3A_441], %gather3A_438 : memref<12800xf32, #tpu.memory_space<vmem>>[vector<16xi32>], vector<16xf32>,
        %add3A_442 = arith.constant 28 : i32
        %add3A_443 = vector.broadcast %add3A_442 : i32 to vector<16xi32>
        %add3A_444 = arith.addi %get3A_44, %add3A_443 : vector<16xi32>
        %shift_right_arithmetic3A_445 = arith.constant 6 : i32
        %shift_right_arithmetic3A_446 = vector.broadcast %shift_right_arithmetic3A_445 : i32 to vector<16xi32>
        %shift_right_arithmetic3A_447 = arith.shrsi %add3A_444, %shift_right_arithmetic3A_446 : vector<16xi32>
        %add3A_448 = arith.addi %add3A_48, %shift_right_arithmetic3A_447 : vector<16xi32>
        %and3A_449 = arith.constant 63 : i32
        %and3A_450 = vector.broadcast %and3A_449 : i32 to vector<16xi32>
        %and3A_451 = arith.andi %add3A_444, %and3A_450 : vector<16xi32>
        %gather3A_452 = tpu.vector_load_idx %arg8[%add3A_448, %and3A_451] : memref<512x64xf32, #tpu.memory_space<vmem>>[vector<16xi32>, vector<16xi32>], vector<16xf32>,
        %add3A_453 = arith.constant 28 : i32
        %add3A_454 = vector.broadcast %add3A_453 : i32 to vector<16xi32>
        %add3A_455 = arith.addi %add3A_52, %add3A_454 : vector<16xi32>
        tpu.vector_store_idx %arg9[%add3A_455], %gather3A_452 : memref<12800xf32, #tpu.memory_space<vmem>>[vector<16xi32>], vector<16xf32>,
        %add3A_456 = arith.constant 29 : i32
        %add3A_457 = vector.broadcast %add3A_456 : i32 to vector<16xi32>
        %add3A_458 = arith.addi %get3A_44, %add3A_457 : vector<16xi32>
        %shift_right_arithmetic3A_459 = arith.constant 6 : i32
        %shift_right_arithmetic3A_460 = vector.broadcast %shift_right_arithmetic3A_459 : i32 to vector<16xi32>
        %shift_right_arithmetic3A_461 = arith.shrsi %add3A_458, %shift_right_arithmetic3A_460 : vector<16xi32>
        %add3A_462 = arith.addi %add3A_48, %shift_right_arithmetic3A_461 : vector<16xi32>
        %and3A_463 = arith.constant 63 : i32
        %and3A_464 = vector.broadcast %and3A_463 : i32 to vector<16xi32>
        %and3A_465 = arith.andi %add3A_458, %and3A_464 : vector<16xi32>
        %gather3A_466 = tpu.vector_load_idx %arg8[%add3A_462, %and3A_465] : memref<512x64xf32, #tpu.memory_space<vmem>>[vector<16xi32>, vector<16xi32>], vector<16xf32>,
        %add3A_467 = arith.constant 29 : i32
        %add3A_468 = vector.broadcast %add3A_467 : i32 to vector<16xi32>
        %add3A_469 = arith.addi %add3A_52, %add3A_468 : vector<16xi32>
        tpu.vector_store_idx %arg9[%add3A_469], %gather3A_466 : memref<12800xf32, #tpu.memory_space<vmem>>[vector<16xi32>], vector<16xf32>,
        %add3A_470 = arith.constant 30 : i32
        %add3A_471 = vector.broadcast %add3A_470 : i32 to vector<16xi32>
        %add3A_472 = arith.addi %get3A_44, %add3A_471 : vector<16xi32>
        %shift_right_arithmetic3A_473 = arith.constant 6 : i32
        %shift_right_arithmetic3A_474 = vector.broadcast %shift_right_arithmetic3A_473 : i32 to vector<16xi32>
        %shift_right_arithmetic3A_475 = arith.shrsi %add3A_472, %shift_right_arithmetic3A_474 : vector<16xi32>
        %add3A_476 = arith.addi %add3A_48, %shift_right_arithmetic3A_475 : vector<16xi32>
        %and3A_477 = arith.constant 63 : i32
        %and3A_478 = vector.broadcast %and3A_477 : i32 to vector<16xi32>
        %and3A_479 = arith.andi %add3A_472, %and3A_478 : vector<16xi32>
        %gather3A_480 = tpu.vector_load_idx %arg8[%add3A_476, %and3A_479] : memref<512x64xf32, #tpu.memory_space<vmem>>[vector<16xi32>, vector<16xi32>], vector<16xf32>,
        %add3A_481 = arith.constant 30 : i32
        %add3A_482 = vector.broadcast %add3A_481 : i32 to vector<16xi32>
        %add3A_483 = arith.addi %add3A_52, %add3A_482 : vector<16xi32>
        tpu.vector_store_idx %arg9[%add3A_483], %gather3A_480 : memref<12800xf32, #tpu.memory_space<vmem>>[vector<16xi32>], vector<16xf32>,
        %add3A_484 = arith.constant 31 : i32
        %add3A_485 = vector.broadcast %add3A_484 : i32 to vector<16xi32>
        %add3A_486 = arith.addi %get3A_44, %add3A_485 : vector<16xi32>
        %shift_right_arithmetic3A_487 = arith.constant 6 : i32
        %shift_right_arithmetic3A_488 = vector.broadcast %shift_right_arithmetic3A_487 : i32 to vector<16xi32>
        %shift_right_arithmetic3A_489 = arith.shrsi %add3A_486, %shift_right_arithmetic3A_488 : vector<16xi32>
        %add3A_490 = arith.addi %add3A_48, %shift_right_arithmetic3A_489 : vector<16xi32>
        %and3A_491 = arith.constant 63 : i32
        %and3A_492 = vector.broadcast %and3A_491 : i32 to vector<16xi32>
        %and3A_493 = arith.andi %add3A_486, %and3A_492 : vector<16xi32>
        %gather3A_494 = tpu.vector_load_idx %arg8[%add3A_490, %and3A_493] : memref<512x64xf32, #tpu.memory_space<vmem>>[vector<16xi32>, vector<16xi32>], vector<16xf32>,
        %add3A_495 = arith.constant 31 : i32
        %add3A_496 = vector.broadcast %add3A_495 : i32 to vector<16xi32>
        %add3A_497 = arith.addi %add3A_52, %add3A_496 : vector<16xi32>
        tpu.vector_store_idx %arg9[%add3A_497], %gather3A_494 : memref<12800xf32, #tpu.memory_space<vmem>>[vector<16xi32>], vector<16xf32>,
        %add3A_498 = arith.constant 32 : i32
        %add3A_499 = vector.broadcast %add3A_498 : i32 to vector<16xi32>
        %add3A_500 = arith.addi %get3A_44, %add3A_499 : vector<16xi32>
        %shift_right_arithmetic3A_501 = arith.constant 6 : i32
        %shift_right_arithmetic3A_502 = vector.broadcast %shift_right_arithmetic3A_501 : i32 to vector<16xi32>
        %shift_right_arithmetic3A_503 = arith.shrsi %add3A_500, %shift_right_arithmetic3A_502 : vector<16xi32>
        %add3A_504 = arith.addi %add3A_48, %shift_right_arithmetic3A_503 : vector<16xi32>
        %and3A_505 = arith.constant 63 : i32
        %and3A_506 = vector.broadcast %and3A_505 : i32 to vector<16xi32>
        %and3A_507 = arith.andi %add3A_500, %and3A_506 : vector<16xi32>
        %gather3A_508 = tpu.vector_load_idx %arg8[%add3A_504, %and3A_507] : memref<512x64xf32, #tpu.memory_space<vmem>>[vector<16xi32>, vector<16xi32>], vector<16xf32>,
        %add3A_509 = arith.constant 32 : i32
        %add3A_510 = vector.broadcast %add3A_509 : i32 to vector<16xi32>
        %add3A_511 = arith.addi %add3A_52, %add3A_510 : vector<16xi32>
        tpu.vector_store_idx %arg9[%add3A_511], %gather3A_508 : memref<12800xf32, #tpu.memory_space<vmem>>[vector<16xi32>], vector<16xf32>,
        %add3A_512 = arith.constant 33 : i32
        %add3A_513 = vector.broadcast %add3A_512 : i32 to vector<16xi32>
        %add3A_514 = arith.addi %get3A_44, %add3A_513 : vector<16xi32>
        %shift_right_arithmetic3A_515 = arith.constant 6 : i32
        %shift_right_arithmetic3A_516 = vector.broadcast %shift_right_arithmetic3A_515 : i32 to vector<16xi32>
        %shift_right_arithmetic3A_517 = arith.shrsi %add3A_514, %shift_right_arithmetic3A_516 : vector<16xi32>
        %add3A_518 = arith.addi %add3A_48, %shift_right_arithmetic3A_517 : vector<16xi32>
        %and3A_519 = arith.constant 63 : i32
        %and3A_520 = vector.broadcast %and3A_519 : i32 to vector<16xi32>
        %and3A_521 = arith.andi %add3A_514, %and3A_520 : vector<16xi32>
        %gather3A_522 = tpu.vector_load_idx %arg8[%add3A_518, %and3A_521] : memref<512x64xf32, #tpu.memory_space<vmem>>[vector<16xi32>, vector<16xi32>], vector<16xf32>,
        %add3A_523 = arith.constant 33 : i32
        %add3A_524 = vector.broadcast %add3A_523 : i32 to vector<16xi32>
        %add3A_525 = arith.addi %add3A_52, %add3A_524 : vector<16xi32>
        tpu.vector_store_idx %arg9[%add3A_525], %gather3A_522 : memref<12800xf32, #tpu.memory_space<vmem>>[vector<16xi32>], vector<16xf32>,
        %add3A_526 = arith.constant 34 : i32
        %add3A_527 = vector.broadcast %add3A_526 : i32 to vector<16xi32>
        %add3A_528 = arith.addi %get3A_44, %add3A_527 : vector<16xi32>
        %shift_right_arithmetic3A_529 = arith.constant 6 : i32
        %shift_right_arithmetic3A_530 = vector.broadcast %shift_right_arithmetic3A_529 : i32 to vector<16xi32>
        %shift_right_arithmetic3A_531 = arith.shrsi %add3A_528, %shift_right_arithmetic3A_530 : vector<16xi32>
        %add3A_532 = arith.addi %add3A_48, %shift_right_arithmetic3A_531 : vector<16xi32>
        %and3A_533 = arith.constant 63 : i32
        %and3A_534 = vector.broadcast %and3A_533 : i32 to vector<16xi32>
        %and3A_535 = arith.andi %add3A_528, %and3A_534 : vector<16xi32>
        %gather3A_536 = tpu.vector_load_idx %arg8[%add3A_532, %and3A_535] : memref<512x64xf32, #tpu.memory_space<vmem>>[vector<16xi32>, vector<16xi32>], vector<16xf32>,
        %add3A_537 = arith.constant 34 : i32
        %add3A_538 = vector.broadcast %add3A_537 : i32 to vector<16xi32>
        %add3A_539 = arith.addi %add3A_52, %add3A_538 : vector<16xi32>
        tpu.vector_store_idx %arg9[%add3A_539], %gather3A_536 : memref<12800xf32, #tpu.memory_space<vmem>>[vector<16xi32>], vector<16xf32>,
        %add3A_540 = arith.constant 35 : i32
        %add3A_541 = vector.broadcast %add3A_540 : i32 to vector<16xi32>
        %add3A_542 = arith.addi %get3A_44, %add3A_541 : vector<16xi32>
        %shift_right_arithmetic3A_543 = arith.constant 6 : i32
        %shift_right_arithmetic3A_544 = vector.broadcast %shift_right_arithmetic3A_543 : i32 to vector<16xi32>
        %shift_right_arithmetic3A_545 = arith.shrsi %add3A_542, %shift_right_arithmetic3A_544 : vector<16xi32>
        %add3A_546 = arith.addi %add3A_48, %shift_right_arithmetic3A_545 : vector<16xi32>
        %and3A_547 = arith.constant 63 : i32
        %and3A_548 = vector.broadcast %and3A_547 : i32 to vector<16xi32>
        %and3A_549 = arith.andi %add3A_542, %and3A_548 : vector<16xi32>
        %gather3A_550 = tpu.vector_load_idx %arg8[%add3A_546, %and3A_549] : memref<512x64xf32, #tpu.memory_space<vmem>>[vector<16xi32>, vector<16xi32>], vector<16xf32>,
        %add3A_551 = arith.constant 35 : i32
        %add3A_552 = vector.broadcast %add3A_551 : i32 to vector<16xi32>
        %add3A_553 = arith.addi %add3A_52, %add3A_552 : vector<16xi32>
        tpu.vector_store_idx %arg9[%add3A_553], %gather3A_550 : memref<12800xf32, #tpu.memory_space<vmem>>[vector<16xi32>], vector<16xf32>,
        %add3A_554 = arith.constant 36 : i32
        %add3A_555 = vector.broadcast %add3A_554 : i32 to vector<16xi32>
        %add3A_556 = arith.addi %get3A_44, %add3A_555 : vector<16xi32>
        %shift_right_arithmetic3A_557 = arith.constant 6 : i32
        %shift_right_arithmetic3A_558 = vector.broadcast %shift_right_arithmetic3A_557 : i32 to vector<16xi32>
        %shift_right_arithmetic3A_559 = arith.shrsi %add3A_556, %shift_right_arithmetic3A_558 : vector<16xi32>
        %add3A_560 = arith.addi %add3A_48, %shift_right_arithmetic3A_559 : vector<16xi32>
        %and3A_561 = arith.constant 63 : i32
        %and3A_562 = vector.broadcast %and3A_561 : i32 to vector<16xi32>
        %and3A_563 = arith.andi %add3A_556, %and3A_562 : vector<16xi32>
        %gather3A_564 = tpu.vector_load_idx %arg8[%add3A_560, %and3A_563] : memref<512x64xf32, #tpu.memory_space<vmem>>[vector<16xi32>, vector<16xi32>], vector<16xf32>,
        %add3A_565 = arith.constant 36 : i32
        %add3A_566 = vector.broadcast %add3A_565 : i32 to vector<16xi32>
        %add3A_567 = arith.addi %add3A_52, %add3A_566 : vector<16xi32>
        tpu.vector_store_idx %arg9[%add3A_567], %gather3A_564 : memref<12800xf32, #tpu.memory_space<vmem>>[vector<16xi32>], vector<16xf32>,
        %add3A_568 = arith.constant 37 : i32
        %add3A_569 = vector.broadcast %add3A_568 : i32 to vector<16xi32>
        %add3A_570 = arith.addi %get3A_44, %add3A_569 : vector<16xi32>
        %shift_right_arithmetic3A_571 = arith.constant 6 : i32
        %shift_right_arithmetic3A_572 = vector.broadcast %shift_right_arithmetic3A_571 : i32 to vector<16xi32>
        %shift_right_arithmetic3A_573 = arith.shrsi %add3A_570, %shift_right_arithmetic3A_572 : vector<16xi32>
        %add3A_574 = arith.addi %add3A_48, %shift_right_arithmetic3A_573 : vector<16xi32>
        %and3A_575 = arith.constant 63 : i32
        %and3A_576 = vector.broadcast %and3A_575 : i32 to vector<16xi32>
        %and3A_577 = arith.andi %add3A_570, %and3A_576 : vector<16xi32>
        %gather3A_578 = tpu.vector_load_idx %arg8[%add3A_574, %and3A_577] : memref<512x64xf32, #tpu.memory_space<vmem>>[vector<16xi32>, vector<16xi32>], vector<16xf32>,
        %add3A_579 = arith.constant 37 : i32
        %add3A_580 = vector.broadcast %add3A_579 : i32 to vector<16xi32>
        %add3A_581 = arith.addi %add3A_52, %add3A_580 : vector<16xi32>
        tpu.vector_store_idx %arg9[%add3A_581], %gather3A_578 : memref<12800xf32, #tpu.memory_space<vmem>>[vector<16xi32>], vector<16xf32>,
        %add3A_582 = arith.constant 38 : i32
        %add3A_583 = vector.broadcast %add3A_582 : i32 to vector<16xi32>
        %add3A_584 = arith.addi %get3A_44, %add3A_583 : vector<16xi32>
        %shift_right_arithmetic3A_585 = arith.constant 6 : i32
        %shift_right_arithmetic3A_586 = vector.broadcast %shift_right_arithmetic3A_585 : i32 to vector<16xi32>
        %shift_right_arithmetic3A_587 = arith.shrsi %add3A_584, %shift_right_arithmetic3A_586 : vector<16xi32>
        %add3A_588 = arith.addi %add3A_48, %shift_right_arithmetic3A_587 : vector<16xi32>
        %and3A_589 = arith.constant 63 : i32
        %and3A_590 = vector.broadcast %and3A_589 : i32 to vector<16xi32>
        %and3A_591 = arith.andi %add3A_584, %and3A_590 : vector<16xi32>
        %gather3A_592 = tpu.vector_load_idx %arg8[%add3A_588, %and3A_591] : memref<512x64xf32, #tpu.memory_space<vmem>>[vector<16xi32>, vector<16xi32>], vector<16xf32>,
        %add3A_593 = arith.constant 38 : i32
        %add3A_594 = vector.broadcast %add3A_593 : i32 to vector<16xi32>
        %add3A_595 = arith.addi %add3A_52, %add3A_594 : vector<16xi32>
        tpu.vector_store_idx %arg9[%add3A_595], %gather3A_592 : memref<12800xf32, #tpu.memory_space<vmem>>[vector<16xi32>], vector<16xf32>,
        %add3A_596 = arith.constant 39 : i32
        %add3A_597 = vector.broadcast %add3A_596 : i32 to vector<16xi32>
        %add3A_598 = arith.addi %get3A_44, %add3A_597 : vector<16xi32>
        %shift_right_arithmetic3A_599 = arith.constant 6 : i32
        %shift_right_arithmetic3A_600 = vector.broadcast %shift_right_arithmetic3A_599 : i32 to vector<16xi32>
        %shift_right_arithmetic3A_601 = arith.shrsi %add3A_598, %shift_right_arithmetic3A_600 : vector<16xi32>
        %add3A_602 = arith.addi %add3A_48, %shift_right_arithmetic3A_601 : vector<16xi32>
        %and3A_603 = arith.constant 63 : i32
        %and3A_604 = vector.broadcast %and3A_603 : i32 to vector<16xi32>
        %and3A_605 = arith.andi %add3A_598, %and3A_604 : vector<16xi32>
        %gather3A_606 = tpu.vector_load_idx %arg8[%add3A_602, %and3A_605] : memref<512x64xf32, #tpu.memory_space<vmem>>[vector<16xi32>, vector<16xi32>], vector<16xf32>,
        %add3A_607 = arith.constant 39 : i32
        %add3A_608 = vector.broadcast %add3A_607 : i32 to vector<16xi32>
        %add3A_609 = arith.addi %add3A_52, %add3A_608 : vector<16xi32>
        tpu.vector_store_idx %arg9[%add3A_609], %gather3A_606 : memref<12800xf32, #tpu.memory_space<vmem>>[vector<16xi32>], vector<16xf32>,
        %add3A_610 = arith.constant 40 : i32
        %add3A_611 = vector.broadcast %add3A_610 : i32 to vector<16xi32>
        %add3A_612 = arith.addi %get3A_44, %add3A_611 : vector<16xi32>
        %shift_right_arithmetic3A_613 = arith.constant 6 : i32
        %shift_right_arithmetic3A_614 = vector.broadcast %shift_right_arithmetic3A_613 : i32 to vector<16xi32>
        %shift_right_arithmetic3A_615 = arith.shrsi %add3A_612, %shift_right_arithmetic3A_614 : vector<16xi32>
        %add3A_616 = arith.addi %add3A_48, %shift_right_arithmetic3A_615 : vector<16xi32>
        %and3A_617 = arith.constant 63 : i32
        %and3A_618 = vector.broadcast %and3A_617 : i32 to vector<16xi32>
        %and3A_619 = arith.andi %add3A_612, %and3A_618 : vector<16xi32>
        %gather3A_620 = tpu.vector_load_idx %arg8[%add3A_616, %and3A_619] : memref<512x64xf32, #tpu.memory_space<vmem>>[vector<16xi32>, vector<16xi32>], vector<16xf32>,
        %add3A_621 = arith.constant 40 : i32
        %add3A_622 = vector.broadcast %add3A_621 : i32 to vector<16xi32>
        %add3A_623 = arith.addi %add3A_52, %add3A_622 : vector<16xi32>
        tpu.vector_store_idx %arg9[%add3A_623], %gather3A_620 : memref<12800xf32, #tpu.memory_space<vmem>>[vector<16xi32>], vector<16xf32>,
        %add3A_624 = arith.constant 41 : i32
        %add3A_625 = vector.broadcast %add3A_624 : i32 to vector<16xi32>
        %add3A_626 = arith.addi %get3A_44, %add3A_625 : vector<16xi32>
        %shift_right_arithmetic3A_627 = arith.constant 6 : i32
        %shift_right_arithmetic3A_628 = vector.broadcast %shift_right_arithmetic3A_627 : i32 to vector<16xi32>
        %shift_right_arithmetic3A_629 = arith.shrsi %add3A_626, %shift_right_arithmetic3A_628 : vector<16xi32>
        %add3A_630 = arith.addi %add3A_48, %shift_right_arithmetic3A_629 : vector<16xi32>
        %and3A_631 = arith.constant 63 : i32
        %and3A_632 = vector.broadcast %and3A_631 : i32 to vector<16xi32>
        %and3A_633 = arith.andi %add3A_626, %and3A_632 : vector<16xi32>
        %gather3A_634 = tpu.vector_load_idx %arg8[%add3A_630, %and3A_633] : memref<512x64xf32, #tpu.memory_space<vmem>>[vector<16xi32>, vector<16xi32>], vector<16xf32>,
        %add3A_635 = arith.constant 41 : i32
        %add3A_636 = vector.broadcast %add3A_635 : i32 to vector<16xi32>
        %add3A_637 = arith.addi %add3A_52, %add3A_636 : vector<16xi32>
        tpu.vector_store_idx %arg9[%add3A_637], %gather3A_634 : memref<12800xf32, #tpu.memory_space<vmem>>[vector<16xi32>], vector<16xf32>,
        %add3A_638 = arith.constant 42 : i32
        %add3A_639 = vector.broadcast %add3A_638 : i32 to vector<16xi32>
        %add3A_640 = arith.addi %get3A_44, %add3A_639 : vector<16xi32>
        %shift_right_arithmetic3A_641 = arith.constant 6 : i32
        %shift_right_arithmetic3A_642 = vector.broadcast %shift_right_arithmetic3A_641 : i32 to vector<16xi32>
        %shift_right_arithmetic3A_643 = arith.shrsi %add3A_640, %shift_right_arithmetic3A_642 : vector<16xi32>
        %add3A_644 = arith.addi %add3A_48, %shift_right_arithmetic3A_643 : vector<16xi32>
        %and3A_645 = arith.constant 63 : i32
        %and3A_646 = vector.broadcast %and3A_645 : i32 to vector<16xi32>
        %and3A_647 = arith.andi %add3A_640, %and3A_646 : vector<16xi32>
        %gather3A_648 = tpu.vector_load_idx %arg8[%add3A_644, %and3A_647] : memref<512x64xf32, #tpu.memory_space<vmem>>[vector<16xi32>, vector<16xi32>], vector<16xf32>,
        %add3A_649 = arith.constant 42 : i32
        %add3A_650 = vector.broadcast %add3A_649 : i32 to vector<16xi32>
        %add3A_651 = arith.addi %add3A_52, %add3A_650 : vector<16xi32>
        tpu.vector_store_idx %arg9[%add3A_651], %gather3A_648 : memref<12800xf32, #tpu.memory_space<vmem>>[vector<16xi32>], vector<16xf32>,
        %add3A_652 = arith.constant 43 : i32
        %add3A_653 = vector.broadcast %add3A_652 : i32 to vector<16xi32>
        %add3A_654 = arith.addi %get3A_44, %add3A_653 : vector<16xi32>
        %shift_right_arithmetic3A_655 = arith.constant 6 : i32
        %shift_right_arithmetic3A_656 = vector.broadcast %shift_right_arithmetic3A_655 : i32 to vector<16xi32>
        %shift_right_arithmetic3A_657 = arith.shrsi %add3A_654, %shift_right_arithmetic3A_656 : vector<16xi32>
        %add3A_658 = arith.addi %add3A_48, %shift_right_arithmetic3A_657 : vector<16xi32>
        %and3A_659 = arith.constant 63 : i32
        %and3A_660 = vector.broadcast %and3A_659 : i32 to vector<16xi32>
        %and3A_661 = arith.andi %add3A_654, %and3A_660 : vector<16xi32>
        %gather3A_662 = tpu.vector_load_idx %arg8[%add3A_658, %and3A_661] : memref<512x64xf32, #tpu.memory_space<vmem>>[vector<16xi32>, vector<16xi32>], vector<16xf32>,
        %add3A_663 = arith.constant 43 : i32
        %add3A_664 = vector.broadcast %add3A_663 : i32 to vector<16xi32>
        %add3A_665 = arith.addi %add3A_52, %add3A_664 : vector<16xi32>
        tpu.vector_store_idx %arg9[%add3A_665], %gather3A_662 : memref<12800xf32, #tpu.memory_space<vmem>>[vector<16xi32>], vector<16xf32>,
        %add3A_666 = arith.constant 44 : i32
        %add3A_667 = vector.broadcast %add3A_666 : i32 to vector<16xi32>
        %add3A_668 = arith.addi %get3A_44, %add3A_667 : vector<16xi32>
        %shift_right_arithmetic3A_669 = arith.constant 6 : i32
        %shift_right_arithmetic3A_670 = vector.broadcast %shift_right_arithmetic3A_669 : i32 to vector<16xi32>
        %shift_right_arithmetic3A_671 = arith.shrsi %add3A_668, %shift_right_arithmetic3A_670 : vector<16xi32>
        %add3A_672 = arith.addi %add3A_48, %shift_right_arithmetic3A_671 : vector<16xi32>
        %and3A_673 = arith.constant 63 : i32
        %and3A_674 = vector.broadcast %and3A_673 : i32 to vector<16xi32>
        %and3A_675 = arith.andi %add3A_668, %and3A_674 : vector<16xi32>
        %gather3A_676 = tpu.vector_load_idx %arg8[%add3A_672, %and3A_675] : memref<512x64xf32, #tpu.memory_space<vmem>>[vector<16xi32>, vector<16xi32>], vector<16xf32>,
        %add3A_677 = arith.constant 44 : i32
        %add3A_678 = vector.broadcast %add3A_677 : i32 to vector<16xi32>
        %add3A_679 = arith.addi %add3A_52, %add3A_678 : vector<16xi32>
        tpu.vector_store_idx %arg9[%add3A_679], %gather3A_676 : memref<12800xf32, #tpu.memory_space<vmem>>[vector<16xi32>], vector<16xf32>,
        %add3A_680 = arith.constant 45 : i32
        %add3A_681 = vector.broadcast %add3A_680 : i32 to vector<16xi32>
        %add3A_682 = arith.addi %get3A_44, %add3A_681 : vector<16xi32>
        %shift_right_arithmetic3A_683 = arith.constant 6 : i32
        %shift_right_arithmetic3A_684 = vector.broadcast %shift_right_arithmetic3A_683 : i32 to vector<16xi32>
        %shift_right_arithmetic3A_685 = arith.shrsi %add3A_682, %shift_right_arithmetic3A_684 : vector<16xi32>
        %add3A_686 = arith.addi %add3A_48, %shift_right_arithmetic3A_685 : vector<16xi32>
        %and3A_687 = arith.constant 63 : i32
        %and3A_688 = vector.broadcast %and3A_687 : i32 to vector<16xi32>
        %and3A_689 = arith.andi %add3A_682, %and3A_688 : vector<16xi32>
        %gather3A_690 = tpu.vector_load_idx %arg8[%add3A_686, %and3A_689] : memref<512x64xf32, #tpu.memory_space<vmem>>[vector<16xi32>, vector<16xi32>], vector<16xf32>,
        %add3A_691 = arith.constant 45 : i32
        %add3A_692 = vector.broadcast %add3A_691 : i32 to vector<16xi32>
        %add3A_693 = arith.addi %add3A_52, %add3A_692 : vector<16xi32>
        tpu.vector_store_idx %arg9[%add3A_693], %gather3A_690 : memref<12800xf32, #tpu.memory_space<vmem>>[vector<16xi32>], vector<16xf32>,
        %add3A_694 = arith.constant 46 : i32
        %add3A_695 = vector.broadcast %add3A_694 : i32 to vector<16xi32>
        %add3A_696 = arith.addi %get3A_44, %add3A_695 : vector<16xi32>
        %shift_right_arithmetic3A_697 = arith.constant 6 : i32
        %shift_right_arithmetic3A_698 = vector.broadcast %shift_right_arithmetic3A_697 : i32 to vector<16xi32>
        %shift_right_arithmetic3A_699 = arith.shrsi %add3A_696, %shift_right_arithmetic3A_698 : vector<16xi32>
        %add3A_700 = arith.addi %add3A_48, %shift_right_arithmetic3A_699 : vector<16xi32>
        %and3A_701 = arith.constant 63 : i32
        %and3A_702 = vector.broadcast %and3A_701 : i32 to vector<16xi32>
        %and3A_703 = arith.andi %add3A_696, %and3A_702 : vector<16xi32>
        %gather3A_704 = tpu.vector_load_idx %arg8[%add3A_700, %and3A_703] : memref<512x64xf32, #tpu.memory_space<vmem>>[vector<16xi32>, vector<16xi32>], vector<16xf32>,
        %add3A_705 = arith.constant 46 : i32
        %add3A_706 = vector.broadcast %add3A_705 : i32 to vector<16xi32>
        %add3A_707 = arith.addi %add3A_52, %add3A_706 : vector<16xi32>
        tpu.vector_store_idx %arg9[%add3A_707], %gather3A_704 : memref<12800xf32, #tpu.memory_space<vmem>>[vector<16xi32>], vector<16xf32>,
        %add3A_708 = arith.constant 47 : i32
        %add3A_709 = vector.broadcast %add3A_708 : i32 to vector<16xi32>
        %add3A_710 = arith.addi %get3A_44, %add3A_709 : vector<16xi32>
        %shift_right_arithmetic3A_711 = arith.constant 6 : i32
        %shift_right_arithmetic3A_712 = vector.broadcast %shift_right_arithmetic3A_711 : i32 to vector<16xi32>
        %shift_right_arithmetic3A_713 = arith.shrsi %add3A_710, %shift_right_arithmetic3A_712 : vector<16xi32>
        %add3A_714 = arith.addi %add3A_48, %shift_right_arithmetic3A_713 : vector<16xi32>
        %and3A_715 = arith.constant 63 : i32
        %and3A_716 = vector.broadcast %and3A_715 : i32 to vector<16xi32>
        %and3A_717 = arith.andi %add3A_710, %and3A_716 : vector<16xi32>
        %gather3A_718 = tpu.vector_load_idx %arg8[%add3A_714, %and3A_717] : memref<512x64xf32, #tpu.memory_space<vmem>>[vector<16xi32>, vector<16xi32>], vector<16xf32>,
        %add3A_719 = arith.constant 47 : i32
        %add3A_720 = vector.broadcast %add3A_719 : i32 to vector<16xi32>
        %add3A_721 = arith.addi %add3A_52, %add3A_720 : vector<16xi32>
        tpu.vector_store_idx %arg9[%add3A_721], %gather3A_718 : memref<12800xf32, #tpu.memory_space<vmem>>[vector<16xi32>], vector<16xf32>,
        %add3A_722 = arith.constant 48 : i32
        %add3A_723 = vector.broadcast %add3A_722 : i32 to vector<16xi32>
        %add3A_724 = arith.addi %get3A_44, %add3A_723 : vector<16xi32>
        %shift_right_arithmetic3A_725 = arith.constant 6 : i32
        %shift_right_arithmetic3A_726 = vector.broadcast %shift_right_arithmetic3A_725 : i32 to vector<16xi32>
        %shift_right_arithmetic3A_727 = arith.shrsi %add3A_724, %shift_right_arithmetic3A_726 : vector<16xi32>
        %add3A_728 = arith.addi %add3A_48, %shift_right_arithmetic3A_727 : vector<16xi32>
        %and3A_729 = arith.constant 63 : i32
        %and3A_730 = vector.broadcast %and3A_729 : i32 to vector<16xi32>
        %and3A_731 = arith.andi %add3A_724, %and3A_730 : vector<16xi32>
        %gather3A_732 = tpu.vector_load_idx %arg8[%add3A_728, %and3A_731] : memref<512x64xf32, #tpu.memory_space<vmem>>[vector<16xi32>, vector<16xi32>], vector<16xf32>,
        %add3A_733 = arith.constant 48 : i32
        %add3A_734 = vector.broadcast %add3A_733 : i32 to vector<16xi32>
        %add3A_735 = arith.addi %add3A_52, %add3A_734 : vector<16xi32>
        tpu.vector_store_idx %arg9[%add3A_735], %gather3A_732 : memref<12800xf32, #tpu.memory_space<vmem>>[vector<16xi32>], vector<16xf32>,
        %add3A_736 = arith.constant 49 : i32
        %add3A_737 = vector.broadcast %add3A_736 : i32 to vector<16xi32>
        %add3A_738 = arith.addi %get3A_44, %add3A_737 : vector<16xi32>
        %shift_right_arithmetic3A_739 = arith.constant 6 : i32
        %shift_right_arithmetic3A_740 = vector.broadcast %shift_right_arithmetic3A_739 : i32 to vector<16xi32>
        %shift_right_arithmetic3A_741 = arith.shrsi %add3A_738, %shift_right_arithmetic3A_740 : vector<16xi32>
        %add3A_742 = arith.addi %add3A_48, %shift_right_arithmetic3A_741 : vector<16xi32>
        %and3A_743 = arith.constant 63 : i32
        %and3A_744 = vector.broadcast %and3A_743 : i32 to vector<16xi32>
        %and3A_745 = arith.andi %add3A_738, %and3A_744 : vector<16xi32>
        %gather3A_746 = tpu.vector_load_idx %arg8[%add3A_742, %and3A_745] : memref<512x64xf32, #tpu.memory_space<vmem>>[vector<16xi32>, vector<16xi32>], vector<16xf32>,
        %add3A_747 = arith.constant 49 : i32
        %add3A_748 = vector.broadcast %add3A_747 : i32 to vector<16xi32>
        %add3A_749 = arith.addi %add3A_52, %add3A_748 : vector<16xi32>
        tpu.vector_store_idx %arg9[%add3A_749], %gather3A_746 : memref<12800xf32, #tpu.memory_space<vmem>>[vector<16xi32>], vector<16xf32>,
      }
      %scan3A_28 = arith.constant 16 : i32
      %mul3A_29 = arith.constant 166400 : i32
      %mul3A_30 = arith.muli %add3A, %mul3A_29 : i32
      %mul3A_31 = arith.constant 12800 : i32
      %mul3A_32 = arith.muli %add3A_15, %mul3A_31 : i32
      %add3A_33 = arith.addi %mul3A_30, %mul3A_32 : i32
      "tpu.region"() ({
        %run_scoped3A = tpu.sem_alloc : memref<!tpu.dma_semaphore, #tpu.memory_space<semaphore_mem>>
        %dma_start3A_34 = tpu.memref_slice %arg5[%add3A_33] : memref<5324800xf32, #tpu.memory_space<hbm>> -> memref<12800xf32, #tpu.memory_space<hbm>>
        %dma_start3A_35 = tpu.memref_slice %arg5[%add3A_33] : memref<5324800xf32, #tpu.memory_space<hbm>> -> memref<12800xf32, #tpu.memory_space<hbm>>
        tpu.enqueue_dma source(%arg9 : memref<12800xf32, #tpu.memory_space<vmem>>) target(%dma_start3A_35 : memref<12800xf32, #tpu.memory_space<hbm>>) target_semaphore(%run_scoped3A : memref<!tpu.dma_semaphore, #tpu.memory_space<semaphore_mem>>)
        %dma_wait3A_36 = tpu.memref_slice %arg5[%add3A_33] : memref<5324800xf32, #tpu.memory_space<hbm>> -> memref<12800xf32, #tpu.memory_space<hbm>>
        %dma_wait3A_37 = tpu.memref_slice %arg5[%add3A_33] : memref<5324800xf32, #tpu.memory_space<hbm>> -> memref<12800xf32, #tpu.memory_space<hbm>>
        tpu.wait_dma2 semaphore(%run_scoped3A : memref<!tpu.dma_semaphore, #tpu.memory_space<semaphore_mem>>) src(%arg9 : memref<12800xf32, #tpu.memory_space<vmem>>) dst(%dma_wait3A_37 : memref<12800xf32, #tpu.memory_space<hbm>>)
        tpu.yield
      }) : () -> ()
    }
    %scan3A_10 = arith.constant 13 : i32
    return
  }
}

</mosaic_0001>

<sc_bundles>
// kernel: _gather_sc.3.cloned.1.call-start
scs
__scs_entry_jumppad:
0x0: {  	(pc) =	sbr.rel $0x88, $3  }
0x1: {  	(tag) =	ssettag $0x0;
	lr =	simm.s32 $0x1  }
0x2: {  	[smem:$0x3F9E] =	sst lr;
	_ =	strace $0xD0000000  }
0x3: {  	_ = 	snop  }
0x4: {  	_ = 	snop  }
0x5: {  	_ = 	snop  }
0x6: {  	_ = 	snop  }
0x7: {  	_ = 	snop  }
__scs_overlays_trampoline_lowered:
0x8: {  	[smem:$0x3FAD] =	sst s0  }
0x9: {  	[smem:$0x3FAE] =	sst s1  }
0xa: {  	[smem:$0x3FAF] =	sst s2  }
0xb: {  	[smem:$0x3FB0] =	sst s3  }
0xc: {  	[smem:$0x3FB1] =	sst s4  }
0xd: {  	[smem:$0x3FB2] =	sst s5  }
0xe: {  	[smem:$0x3FB3] =	sst s6  }
0xf: {  	[smem:$0x3FB4] =	sst s7  }
0x10: {  	[smem:$0x3FB5] =	sst s8  }
0x11: {  	[smem:$0x3FB6] =	sst s9;
	s0 =	simm.s32 @!p0 $0x0  }
0x12: {  	s1 =	sld [smem:$0x3F9C];
	s0 =	simm.s32 @p0 $0x1  }
0x13: {  	[smem:$0x3FB7] =	sst s0;
	s0 =	simm.s32 @!p1 $0x0  }
0x14: {  	s2 =	sld [smem:$0x3F9B];
	s0 =	simm.s32 @p1 $0x1  }
0x15: {  	[smem:$0x3FB8] =	sst s0;
	s0 =	simm.s32 @!p2 $0x0  }
0x16: {  	s3 =	sld [smem:$0x3FDB];
	s0 =	simm.s32 @p2 $0x1  }
0x17: {  	s4 =	simm.s32 $0x1BF5;
	[smem:$0x3FBA] =	sst s0  }
0x18: {  	s0 =	sld [smem:$0x3F9D];
	_ =	swait.ge [sflag:s4], $0x0  }
0x19: {  	s7 =	sld [smem:$0x3F9E]  }
0x1a: {  	s8 =	sadd.s32 $0xFFFFE003, lr  }
0x1b: {  	s9 =	sadd.s32 $0xFFFFFEF7, lr;
	s5 =	simm.s32 $0xFFFFFFFF;
	p2 =	slt.u32 s8, $0xFFFFF086  }
0x1c: {  	p1 =	slt.u32 s9, $0xF7A;
	s5 =	simm.s32 @!p2 $0x0  }
0x1d: {  	s5 =	simm.s32 @p1 $0x1;
	p0 =	seq.s32 s7, s2  }
0x1e: {  	s7 =	smul.u32 @!p0 $0xF7A, s2;
	p2 =	seq.s32 @!p0 s5, $0x0  }
0x1f: {  	s9 =	smul.u32 $0xF7A, s1;
	s8 =	simm.s32 @!p0 $0x1BF5;
	p2 =	por !p2, p0  }
0x20: {  	[sflag:s8] =	ssyncset.s32 @!p0 $0xFFFFF086;
	s6 =	sadd.s32 @!p0 s3, s7;
	s7 =	simm.s32 @!p0 $0x108  }
0x21: {  	s3 =	sadd.s32 s3, s9;
	s6 =	sadd.s32 @!p0 $0x88, s6;
	s7 =	simm.s32 @p2 $0x1082  }
0x22: {  	[simem:s7], [sflag:s8] =	dma.local @!p0 [hbm:s6], $0xF7A  }
0x23: {  	s9 =	sor.u32 $0xD0000000, s2;
	s6 =	simm.s32 $0x108;
	_ =	swait.ge @!p0 [sflag:s8], $0x0  }
0x24: {  	s3 =	sadd.s32 $0x88, s3;
	s6 =	simm.s32 @!p1 $0x1082;
	[sflag:s4] =	ssyncset.s32 $0xFFFFF086  }
0x25: {  	[simem:s6], [sflag:s4] =	dma.local [hbm:s3], $0xF7A  }
0x26: {  	[smem:$0x3F9E] =	sst s1;
	(tag) =	ssettag s2;
	_ =	strace s9  }
0x27: {  	s1 =	sld [smem:$0x3FAE]  }
0x28: {  	s2 =	sld [smem:$0x3FAF]  }
0x29: {  	s4 =	sld [smem:$0x3FB1]  }
0x2a: {  	p0 =	seq.s32 s5, $0x0;
	s5 =	sld [smem:$0x3FB2]  }
0x2b: {  	s6 =	sld [smem:$0x3FB3]  }
0x2c: {  	s7 =	sld [smem:$0x3FB4]  }
0x2d: {  	s3 =	simm.s32 $0x108;
	s8 =	sld [smem:$0x3FB5]  }
0x2e: {  	s3 =	simm.s32 @!p0 $0x1082;
	s9 =	sld [smem:$0x3FB6]  }
0x2f: {  	lr =	sadd.s32 s0, s3;
	s0 =	sld [smem:$0x3FAD]  }
0x30: {  	s3 =	sld [smem:$0x3FB0]  }
0x31: {  	[smem:$0x3FB9] =	sst s10  }
0x32: {  	s10 =	sld [smem:$0x3FB7];
	_ =	sdelay $0x3  }
0x33: {  	p0 =	seq.s32 s10, $0x1;
	s10 =	sld [smem:$0x3FB9];
	_ =	sdelay $0x3  }
0x34: {  	[smem:$0x3FB9] =	sst s10  }
0x35: {  	s10 =	sld [smem:$0x3FB8];
	_ =	sdelay $0x3  }
0x36: {  	p1 =	seq.s32 s10, $0x1;
	s10 =	sld [smem:$0x3FB9];
	_ =	sdelay $0x3  }
0x37: {  	[smem:$0x3FB9] =	sst s10  }
0x38: {  	s10 =	sld [smem:$0x3FBA]  }
0x39: {  	_ = 	snop;
	(pc) =	sbr.ind lr, $3  }
0x3a: {  	_ = 	snop  }
0x3b: {  	_ = 	snop  }
0x3c: {  	p2 =	seq.s32 s10, $0x1;
	s10 =	sld [smem:$0x3FB9]  }
0x3d: {  	_ =	shalt  }
0x3e: {  	_ =	shalt  }
0x3f: {  	_ =	shalt  }
0x40: {  	_ =	shalt  }
0x41: {  	_ =	shalt  }
0x42: {  	_ =	shalt  }
0x43: {  	_ =	shalt  }
0x44: {  	_ =	shalt  }
0x45: {  	_ =	shalt  }
0x46: {  	_ =	shalt  }
0x47: {  	_ =	shalt  }
0x48: {  	_ =	shalt  }
0x49: {  	_ =	shalt  }
0x4a: {  	_ =	shalt  }
0x4b: {  	_ =	shalt  }
0x4c: {  	_ =	shalt  }
0x4d: {  	_ =	shalt  }
0x4e: {  	_ =	shalt  }
0x4f: {  	_ =	shalt  }
0x50: {  	_ =	shalt  }
0x51: {  	_ =	shalt  }
0x52: {  	_ =	shalt  }
0x53: {  	_ =	shalt  }
0x54: {  	_ =	shalt  }
0x55: {  	_ =	shalt  }
0x56: {  	_ =	shalt  }
0x57: {  	_ =	shalt  }
0x58: {  	_ =	shalt  }
0x59: {  	_ =	shalt  }
0x5a: {  	_ =	shalt  }
0x5b: {  	_ =	shalt  }
0x5c: {  	_ =	shalt  }
0x5d: {  	_ =	shalt  }
0x5e: {  	_ =	shalt  }
0x5f: {  	_ =	shalt  }
0x60: {  	_ =	shalt  }
0x61: {  	_ =	shalt  }
0x62: {  	_ =	shalt  }
0x63: {  	_ =	shalt  }
0x64: {  	_ =	shalt  }
0x65: {  	_ =	shalt  }
0x66: {  	_ =	shalt  }
0x67: {  	_ =	shalt  }
0x68: {  	_ =	shalt  }
0x69: {  	_ =	shalt  }
0x6a: {  	_ =	shalt  }
0x6b: {  	_ =	shalt  }
0x6c: {  	_ =	shalt  }
0x6d: {  	_ =	shalt  }
0x6e: {  	_ =	shalt  }
0x6f: {  	_ =	shalt  }
0x70: {  	_ =	shalt  }
0x71: {  	_ =	shalt  }
0x72: {  	_ =	shalt  }
0x73: {  	_ =	shalt  }
0x74: {  	_ =	shalt  }
0x75: {  	_ =	shalt  }
0x76: {  	_ =	shalt  }
0x77: {  	_ =	shalt  }
0x78: {  	_ =	shalt  }
0x79: {  	_ =	shalt  }
0x7a: {  	_ =	shalt  }
0x7b: {  	_ =	shalt  }
0x7c: {  	_ =	shalt  }
0x7d: {  	_ =	shalt  }
0x7e: {  	_ =	shalt  }
0x7f: {  	_ =	shalt  }
0x80: {  	_ =	shalt  }
0x81: {  	_ =	shalt  }
0x82: {  	_ =	shalt  }
0x83: {  	_ =	shalt  }
0x84: {  	_ =	shalt  }
0x85: {  	_ =	shalt  }
0x86: {  	_ =	shalt  }
0x87: {  	_ =	shalt  }
.Lfunc_end0:
.L_simem_size_0:
called_computation_lowered:
.L_overlay_start_0:
0x88: {  	s2 =	sld [smem:$0x3FD9]  }
0x89: {  	s3 =	sld [smem:$0x3FFE];
	_ =	sdelay $0x1  }
0x8a: {  	s1 =	srdreg.scid  }
0x8b: {  	s0 =	sand.u32 $0x1, s1  }
0x8c: {  	s17 =	sshll.u32 s0, $0xA;
	s2 =	sadd.s32 s3, s2  }
0x8d: {  	s2 =	sadd.s32 s2, s17  }
0x8e: {  	[smem:$0x3FC5] =	sst s2  }
0x8f: {  	_ = 	snop  }
0x90: {  	s2 =	sld [smem:$0x3FD0];
	(tm) =	ssettm $0x1  }
0x91: {  	s18 =	sld [smem:$0x3FFB];
	_ =	sdelay $0x3  }
0x92: {  	_ =	strace s18  }
0x93: {  	s3 =	sld [smem:$0x3FFC];
	_ =	sdelay $0x3  }
0x94: {  	_ =	strace s3  }
0x95: {  	s3 =	sld [smem:$0x3FFD];
	_ =	sdelay $0x3  }
0x96: {  	_ =	strace s3  }
0x97: {  	_ =	strace $0x8FFFFFFF  }
0x98: {  	s19 =	sld [smem:$0x3FDB];
	_ =	sdelay $0x1  }
0x99: {  	s4 =	simm.s32 $_scs_section_size  }
0x9a: {  	s5 =	simm.s32 $_size__tile_overlayer_lowered;
	s6 =	simm.s32 $_tile_overlayer_lowered  }
0x9b: {  	s22 =	simm.s32 $0x1BFF;
	s21 =	sshll.u32 s6, $0x1;
	s3 =	sadd.s32 s4, s19  }
0x9c: {  	s7 =	simm.s32 $0x0;
	s20 =	sshll.u32 s5, $0x1;
	s5 =	sadd.s32 s21, s3  }
0x9d: {  	[timem:s7], [sflag:s22] =	dma.local [hbm:s5], s20  }
0x9e: {  	_ =	swait.ge [sflag:s22], s20  }
0x9f: {  	s4 =	ssub.s32 $0x0, s20;
	[sflag:s22] =	ssyncset.done $0x0  }
0xa0: {  	[sflag:s22] =	ssyncadd.s32 s4;
	_ =	sdelay $0x1  }
0xa1: {  	s23 =	simm.s32 $0x1B8B  }
0xa2: {  	_ =	swait.ge [sflag:s23], $0x1  }
0xa3: {  	[sflag:s23] =	ssyncset.done $0x0  }
0xa4: {  	s25 =	simm.s32 $0x1B8E;
	s24 =	sld [smem:$0x3FFE];
	[sflag:s23] =	ssyncadd.s32 $0xFFFFFFFF  }
0xa5: {  	s26 =	simm.s32 $execute0_lowered;
	[smem:$0x3FD2] =	sst s25  }
0xa6: {  	s5 =	sshll.u32 s26, $0x1;
	_ =	strace $0x80000046;
	[dreg:$0x1] =	wrdreg $0xFFFFFFFF  }
0xa7: {  	s28 =	simm.s32 $_size_execute0_lowered;
	s3 =	sadd.s32 s3, s5;
	[dreg:$0x0] =	wrdreg $0x0  }
0xa8: {  	s5 =	sshll.u32 s28, $0x1;
	[dreg:$0x2] =	wrdreg s3  }
0xa9: {  	[dreg:$0x3] =	wrdreg s5  }
0xaa: {  	[dreg:$0x4] =	wrdreg $0xC0  }
0xab: {  	_ =	task [dreg:s7], $0x5FFFF  }
0xac: {  	[dreg:$0x1] =	wrdreg $0xFFFFFFFF  }
0xad: {  	[dreg:$0x0] =	wrdreg $0x60  }
0xae: {  	[dreg:$0x2] =	wrdreg s24  }
0xaf: {  	[dreg:$0x3] =	wrdreg s2  }
0xb0: {  	[dreg:$0x4] =	wrdreg $0x9  }
0xb1: {  	_ =	task.clear_ibuf [dreg:s7], $0x5FFFF;
	_ =	strace $0x90000046  }
0xb2: {  	s29 =	simm.s32 $0x9;
	_ =	strace $0x80000048  }
0xb3: {  	_ =	swait.ge [sflag:s29], $0x1  }
0xb4: {  	[sflag:s29] =	ssyncadd.s32 $0xFFFFFFFF  }
0xb5: {  	_ =	strace $0x90000048  }
0xb6: {  	_ =	sfence  }
0xb7: {  	s30 =	sld [smem:$0x0];
	_ =	sdelay $0x2  }
0xb8: {  	s31 =	sshll.u32 s1, $0xD;
	s1 =	sshrl.u32 s1, $0x2  }
0xb9: {  	s3 =	sand.u32 $0x4000, s31;
	s1 =	sadd.s32 s1, s30  }
0xba: {  	s0 =	sor.u32 s3, s0;
	s1 =	sshll.u32 s1, $0x11  }
0xbb: {  	s0 =	sor.u32 s1, s0  }
0xbc: {  	s0 =	sadd.s32 $0x8F2B, s0  }
0xbd: {  	[sflag:s0] =	ssyncadd.remote.s32 $0x1  }
0xbe: {  	_ =	sfence.sel $0xFFFF  }
0xbf: {  	[dreg:$0x0] =	wrdreg $0xFFFFFFFF;
	(pc) =	sbr.abs _section_cstart, $3  }
0xc0: {  	[dreg:$0x1] =	wrdreg $0xFFFFFFFF  }
0xc1: {  	_ =	task.clear_ibuf [dreg:s7], $0x2FFFF;
	_ =	strace $0x9FFFFFFF  }
0xc2: {  	(tm) =	ssettm $0x7FFFFFFF  }
0xc3: {  	_ =	shalt  }
tec
execute0_lowered:
.L_overlay_start_1:
0x0: {  	(tag) =	ssettag $0x1  }
0x1: {  	v2 =	vlaneseq.u32  }
0x2: {  	v9 =	vmul.u32 $0x32, v2;
	_ =	sdelay $0x1  }
0x3: {  	v0 =	vadd.s32 $0x10, v9  }
0x4: {  	[tilespmem:$0x1FE80] =	vst v0;
	v0 =	vadd.s32 $0x11, v9  }
0x5: {  	[tilespmem:$0x1FE90] =	vst v0;
	v0 =	vadd.s32 $0x12, v9  }
0x6: {  	[tilespmem:$0x1FEA0] =	vst v0;
	v0 =	vadd.s32 $0x13, v9  }
0x7: {  	[tilespmem:$0x1FEB0] =	vst v0;
	v0 =	vadd.s32 $0x14, v9  }
0x8: {  	v6 =	vimm.s32 $0x60402;
	v8 =	vimm.s32 $0x1070503;
	[tilespmem:$0x1FEC0] =	vst v0;
	v0 =	vadd.s32 $0x15, v9  }
0x9: {  	v10 =	vimm.s32 $0x2000604;
	v12 =	vimm.s32 $0x3010705;
	[tilespmem:$0x1FED0] =	vst v0;
	v0 =	vadd.s32 $0x16, v9  }
0xa: {  	v14 =	vimm.s32 $0x4020006;
	v16 =	vimm.s32 $0x5030107;
	[tilespmem:$0x1FEE0] =	vst v0;
	v0 =	vadd.s32 $0x17, v9  }
0xb: {  	v1 =	vand.u32 $0x3, v2;
	v11 =	vmul.u32 $0x80, v2;
	[tilespmem:$0x1FEF0] =	vst v0;
	v0 =	vadd.s32 $0x18, v9  }
0xc: {  	v6 =	vunpack.c.0.s8.s32 v6;
	v8 =	vunpack.c.0.s8.s32 v8;
	[tilespmem:$0x1FF00] =	vst v0;
	v0 =	vadd.s32 $0x19, v9  }
0xd: {  	v10 =	vunpack.c.0.s8.s32 v10;
	v12 =	vunpack.c.0.s8.s32 v12;
	[tilespmem:$0x1FF10] =	vst v0;
	v0 =	vadd.s32 $0x1A, v9  }
0xe: {  	v14 =	vunpack.c.0.s8.s32 v14;
	v16 =	vunpack.c.0.s8.s32 v16;
	[tilespmem:$0x1FF20] =	vst v0;
	v0 =	vadd.s32 $0x1B, v9  }
0xf: {  	v1 =	vmul.u32 $0x2, v1;
	v13 =	vor.u32 $0x1, v9;
	[tilespmem:$0x1FF30] =	vst v0;
	v0 =	vadd.s32 $0x1C, v9  }
0x10: {  	v15 =	vadd.s32 $0x2, v9;
	v17 =	vadd.s32 $0x3, v9;
	[tilespmem:$0x1FF40] =	vst v0;
	v0 =	vadd.s32 $0x1D, v9  }
0x11: {  	s5 =	rddreg [dreg:$0x0];
	v18 =	vadd.s32 $0x4, v9;
	v19 =	vadd.s32 $0x5, v9;
	[tilespmem:$0x1FF50] =	vst v0;
	v0 =	vadd.s32 $0x1E, v9  }
0x12: {  	s1 =	srdreg.scid;
	s2 =	rddreg [dreg:$0x1];
	s3 =	simm.s32 $0x0;
	v20 =	vadd.s32 $0x6, v9;
	v21 =	vadd.s32 $0x7, v9;
	[tilespmem:$0x1FF60] =	vst v0;
	v0 =	vadd.s32 $0x1F, v9  }
0x13: {  	s0 =	stileid.u32;
	[smem:$0x7FF] =	sst s3;
	v7 =	vadd.s32 $0x8, v9;
	v22 =	vadd.s32 $0x9, v9;
	[tilespmem:$0x1FF70] =	vst v0;
	v0 =	vadd.s32 $0x20, v9  }
0x14: {  	s4 =	sand.u32 $0x1, s1;
	s1 =	rddreg [dreg:$0x2];
	v23 =	vadd.s32 $0xA, v9;
	v24 =	vadd.s32 $0xB, v9;
	_ =	strace $0x80000047;
	[tilespmem:$0x1FF80] =	vst v0;
	v0 =	vadd.s32 $0x21, v9  }
0x15: {  	s11 =	simm.s32 $0x2700;
	s6 =	sshll.u32 s0, $0x1;
	v25 =	vadd.s32 $0xC, v9;
	v26 =	vadd.s32 $0xD, v9;
	[tilespmem:$0x1FF90] =	vst v0;
	v0 =	vadd.s32 $0x22, v9  }
0x16: {  	s7 =	sor.u32 s4, s6;
	s9 =	ssub.s32 $0x2, s4;
	s4 =	sadd.s32 $0x1EFF200, s5;
	v27 =	vadd.s32 $0xE, v9;
	v29 =	vadd.s32 $0xF, v9;
	[tilespmem:$0x1FFA0] =	vst v0;
	v0 =	vadd.s32 $0x23, v9  }
0x17: {  	s12 =	simm.s32 $0x1;
	s13 =	simm.s32 $0xA700;
	s6 =	smul.u32 $0x340, s7;
	v54 =	vadd.s32 $0x28, v9;
	v55 =	vadd.s32 $0x29, v9;
	[tilespmem:$0x1FFB0] =	vst v0;
	v0 =	vadd.s32 $0x24, v9  }
0x18: {  	s14 =	simm.s32 $0x0;
	s8 =	smul.u32 $0x1A0, s7;
	s10 =	sshrl.u32 s9, $0x1;
	v56 =	vadd.s32 $0x2A, v9;
	v57 =	vadd.s32 $0x2B, v9;
	[tilespmem:$0x1FFC0] =	vst v0;
	v0 =	vadd.s32 $0x25, v9  }
0x19: {  	s7 =	smul.u32 $0x28A00, s7;
	v58 =	vadd.s32 $0x2C, v9;
	v30 =	vadd.s32 $0x2D, v9;
	s9 =	ssub.s32 s9, s10;
	s6 =	sadd.s32 s6, s5;
	[tilespmem:$0x1FFD0] =	vst v0;
	v0 =	vadd.s32 $0x26, v9  }
0x1a: {  	v31 =	vadd.s32 $0x2E, v9;
	v32 =	vadd.s32 $0x2F, v9;
	s10 =	simm.s32 $0x200;
	s8 =	sadd.s32 s8, s5;
	s5 =	sadd.s32 $0x800, s6;
	[tilespmem:$0x1FFE0] =	vst v0;
	v0 =	vadd.s32 $0x27, v9  }
0x1b: {  	v33 =	vadd.s32 $0x30, v9;
	v34 =	vadd.s32 $0x31, v9;
	v4 =	vor.u32 $0x1, v1;
	s6 =	sadd.s32 $0x7000, s8;
	s8 =	smax.u32 s9, $0x1;
	s9 =	simm.s32 $0x2;
	[tilespmem:$0x1FFF0] =	vst v0  }
.LBB2_1:
0x1c: {  	[tilespmem:s3], [sflag:$0x2] =	stream.linear.gather [hbm4b:s5+s3], $0x1A00, $0x38;
	[tilespmem:$0xD900] =	vst v63  }
0x1d: {  	_ =	swait.ge [sflag:s9], $0x1A00  }
0x1e: {  	[sflag:s9] =	ssyncset.done $0x0  }
0x1f: {  	s15 =	simm.s32 $0x1A00;
	[sflag:s9] =	ssyncadd.s32 $0xFFFFE600  }
0x20: {  	[tilespmem:s15], [sflag:$0x2] =	stream.linear.gather [hbm4b:s6+s3], $0xD00, $0x38;
	[tilespmem:$0xD900] =	vst v63  }
0x21: {  	_ =	swait.ge [sflag:s9], $0xD00  }
0x22: {  	[sflag:s9] =	ssyncset.done $0x0  }
0x23: {  	s16 =	simm.s32 $0x0;
	[sflag:s9] =	ssyncadd.s32 $0xFFFFF300  }
.LBB2_2:
0x24: {  	s17 =	sshll.u32 s16, $0x9  }
0x25: {  	s17 =	sand.u32 $0x3FFFFE00, s17  }
0x26: {  	[tilespmem:s11], [sflag:$0x1] =	stream.indirect.gather [hbm4b:s4+s10], $0x40, s17, s10, $0xb8;
	[tilespmem:$0xD900] =	vst v63  }
0x27: {  	_ =	swait.ge [sflag:s12], $0x8000  }
0x28: {  	v35 =	vld [tilespmem:$0x1FED0]  }
0x29: {  	v36 =	vld [tilespmem:$0x1FEE0]  }
0x2a: {  	v37 =	vld [tilespmem:$0x1FEF0]  }
0x2b: {  	v38 =	vld [tilespmem:$0x1FF00]  }
0x2c: {  	v39 =	vld [tilespmem:$0x1FF10]  }
0x2d: {  	v40 =	vld [tilespmem:$0x1FF20]  }
0x2e: {  	v41 =	vld [tilespmem:$0x1FF30]  }
0x2f: {  	v42 =	vld [tilespmem:$0x1FF40]  }
0x30: {  	v43 =	vld [tilespmem:$0x1FF50]  }
0x31: {  	v44 =	vld [tilespmem:$0x1FF60]  }
0x32: {  	v45 =	vld [tilespmem:$0x1FF70]  }
0x33: {  	v46 =	vld [tilespmem:$0x1FF80]  }
0x34: {  	v47 =	vld [tilespmem:$0x1FF90]  }
0x35: {  	v48 =	vld [tilespmem:$0x1FFA0]  }
0x36: {  	v49 =	vld [tilespmem:$0x1FFB0]  }
0x37: {  	v50 =	vld [tilespmem:$0x1FFC0]  }
0x38: {  	v51 =	vld [tilespmem:$0x1FFD0]  }
0x39: {  	s18 =	smov.u32 s15;
	[sflag:s12] =	ssyncset.done $0x0;
	v52 =	vld [tilespmem:$0x1FFE0]  }
0x3a: {  	s19 =	simm.s32 $0x0;
	s17 =	simm.s32 $0x0;
	v53 =	vld [tilespmem:$0x1FFF0];
	[sflag:s12] =	ssyncadd.s32 $0xFFFF8000  }
.LBB2_3:
0x3b: {  	v60 =	vld [tilespmem:s18+$0x0];
	_ =	sdelay $0x1  }
0x3c: {  	v59 =	vmov s19  }
0x3d: {  	v59 =	vshll.u32 v59, $0x6  }
0x3e: {  	v61 =	vor.u32 v11, v59  }
0x3f: {  	v59 =	vadd.s32 v61, v60;
	_ =	sdelay $0x2  }
0x40: {  	v62 =	vadd.s32 s17, v9  }
0x41: {  	v62 =	vand.u32 $0x7FF8, v62  }
0x42: {  	v62 =	vor.u32 v1, v62;
	v63 =	vld.idx.msk [tilespmem:v59+s11+$0x0], $0xffff  }
0x43: {  	v0 =	vadd.s32 $0x1, v59;
	_ =	sdelay $0x2  }
0x44: {  	v2 =	vadd.s32 s17, v13  }
0x45: {  	v2 =	vand.u32 $0x7FF8, v2;
	[tilespmem:v62+s13+$0x0] =	vst.idx.msk $0xffff, v63  }
0x46: {  	v2 =	vor.u32 v4, v2;
	v0 =	vld.idx.msk [tilespmem:v0+s11+$0x0], $0xffff  }
0x47: {  	v62 =	vadd.s32 $0x2, v59;
	_ =	sdelay $0x2  }
0x48: {  	v63 =	vadd.s32 s17, v15  }
0x49: {  	[tilespmem:v2+s13+$0x0] =	vst.idx.msk $0xffff, v0;
	v0 =	vand.u32 $0x7FF8, v63  }
0x4a: {  	v2 =	vld.idx.msk [tilespmem:v62+s11+$0x0], $0xffff;
	v0 =	vor.u32 v6, v0  }
0x4b: {  	v62 =	vadd.s32 $0x3, v59;
	_ =	sdelay $0x2  }
0x4c: {  	v63 =	vadd.s32 s17, v17  }
0x4d: {  	[tilespmem:v0+s13+$0x0] =	vst.idx.msk $0xffff, v2;
	v0 =	vand.u32 $0x7FF8, v63  }
0x4e: {  	v2 =	vld.idx.msk [tilespmem:v62+s11+$0x0], $0xffff;
	v0 =	vor.u32 v8, v0  }
0x4f: {  	v62 =	vadd.s32 $0x4, v59;
	_ =	sdelay $0x2  }
0x50: {  	v63 =	vadd.s32 s17, v18  }
0x51: {  	[tilespmem:v0+s13+$0x0] =	vst.idx.msk $0xffff, v2;
	v0 =	vand.u32 $0x7FF8, v63  }
0x52: {  	v2 =	vld.idx.msk [tilespmem:v62+s11+$0x0], $0xffff;
	v0 =	vor.u32 v10, v0  }
0x53: {  	v62 =	vadd.s32 $0x5, v59;
	_ =	sdelay $0x2  }
0x54: {  	v63 =	vadd.s32 s17, v19  }
0x55: {  	[tilespmem:v0+s13+$0x0] =	vst.idx.msk $0xffff, v2;
	v0 =	vand.u32 $0x7FF8, v63  }
0x56: {  	v2 =	vld.idx.msk [tilespmem:v62+s11+$0x0], $0xffff;
	v0 =	vor.u32 v12, v0  }
0x57: {  	v62 =	vadd.s32 $0x6, v59;
	_ =	sdelay $0x2  }
0x58: {  	v63 =	vadd.s32 s17, v20  }
0x59: {  	[tilespmem:v0+s13+$0x0] =	vst.idx.msk $0xffff, v2;
	v0 =	vand.u32 $0x7FF8, v63  }
0x5a: {  	v2 =	vld.idx.msk [tilespmem:v62+s11+$0x0], $0xffff;
	v0 =	vor.u32 v14, v0  }
0x5b: {  	v62 =	vadd.s32 $0x7, v59;
	_ =	sdelay $0x1  }
0x5c: {  	v63 =	vadd.s32 $0x8, v60  }
0x5d: {  	v3 =	vadd.s32 s17, v21;
	v5 =	vadd.s32 v61, v63  }
0x5e: {  	[tilespmem:v0+s13+$0x0] =	vst.idx.msk $0xffff, v2;
	v0 =	vand.u32 $0x7FF8, v3;
	v2 =	vand.u32 $0x38, v63;
	v3 =	vand.u32 $0xFFFFFFC0, v5  }
0x5f: {  	v5 =	vld.idx.msk [tilespmem:v62+s11+$0x0], $0xffff;
	v0 =	vor.u32 v16, v0;
	v62 =	vand.u32 $0x7, v60;
	v2 =	vor.u32 v3, v2  }
0x60: {  	v2 =	vor.u32 v62, v2;
	_ =	sdelay $0x2  }
0x61: {  	v3 =	vadd.s32 s17, v7  }
0x62: {  	[tilespmem:v0+s13+$0x0] =	vst.idx.msk $0xffff, v5;
	v0 =	vand.u32 $0x7FF8, v3  }
0x63: {  	v2 =	vld.idx.msk [tilespmem:v2+s11+$0x0], $0xffff;
	v0 =	vor.u32 v1, v0  }
0x64: {  	v3 =	vadd.s32 $0x9, v59;
	_ =	sdelay $0x2  }
0x65: {  	v5 =	vadd.s32 s17, v22  }
0x66: {  	[tilespmem:v0+s13+$0x0] =	vst.idx.msk $0xffff, v2;
	v0 =	vand.u32 $0x7FF8, v5  }
0x67: {  	v2 =	vld.idx.msk [tilespmem:v3+s11+$0x0], $0xffff;
	v0 =	vor.u32 v4, v0  }
0x68: {  	v3 =	vadd.s32 $0xA, v59;
	_ =	sdelay $0x2  }
0x69: {  	v5 =	vadd.s32 s17, v23  }
0x6a: {  	[tilespmem:v0+s13+$0x0] =	vst.idx.msk $0xffff, v2;
	v0 =	vand.u32 $0x7FF8, v5  }
0x6b: {  	v2 =	vld.idx.msk [tilespmem:v3+s11+$0x0], $0xffff;
	v0 =	vor.u32 v6, v0  }
0x6c: {  	v3 =	vadd.s32 $0xB, v59;
	_ =	sdelay $0x2  }
0x6d: {  	v5 =	vadd.s32 s17, v24  }
0x6e: {  	[tilespmem:v0+s13+$0x0] =	vst.idx.msk $0xffff, v2;
	v0 =	vand.u32 $0x7FF8, v5  }
0x6f: {  	v2 =	vld.idx.msk [tilespmem:v3+s11+$0x0], $0xffff;
	v0 =	vor.u32 v8, v0  }
0x70: {  	v3 =	vadd.s32 $0xC, v59;
	_ =	sdelay $0x2  }
0x71: {  	v5 =	vadd.s32 s17, v25  }
0x72: {  	[tilespmem:v0+s13+$0x0] =	vst.idx.msk $0xffff, v2;
	v0 =	vand.u32 $0x7FF8, v5  }
0x73: {  	v2 =	vld.idx.msk [tilespmem:v3+s11+$0x0], $0xffff;
	v0 =	vor.u32 v10, v0  }
0x74: {  	v3 =	vadd.s32 $0xD, v59;
	_ =	sdelay $0x2  }
0x75: {  	v5 =	vadd.s32 s17, v26  }
0x76: {  	[tilespmem:v0+s13+$0x0] =	vst.idx.msk $0xffff, v2;
	v0 =	vand.u32 $0x7FF8, v5  }
0x77: {  	v2 =	vld.idx.msk [tilespmem:v3+s11+$0x0], $0xffff;
	v0 =	vor.u32 v12, v0  }
0x78: {  	v3 =	vadd.s32 $0xE, v59;
	_ =	sdelay $0x2  }
0x79: {  	v5 =	vadd.s32 s17, v27  }
0x7a: {  	[tilespmem:v0+s13+$0x0] =	vst.idx.msk $0xffff, v2;
	v0 =	vand.u32 $0x7FF8, v5  }
0x7b: {  	v2 =	vld.idx.msk [tilespmem:v3+s11+$0x0], $0xffff;
	v0 =	vor.u32 v14, v0;
	_ =	sdelay $0x1  }
0x7c: {  	v3 =	vadd.s32 $0xF, v59  }
0x7d: {  	v28 =	vmovc v27;
	v27 =	vmov v26;
	v26 =	vmov v25;
	v5 =	vadd.s32 $0x10, v60  }
0x7e: {  	v25 =	vmovc v24;
	v24 =	vmovc v23;
	v23 =	vmov v22;
	v22 =	vmov v7;
	v7 =	vadd.s32 v61, v5  }
0x7f: {  	v63 =	vadd.s32 s17, v29;
	[tilespmem:v0+s13+$0x0] =	vst.idx.msk $0xffff, v2;
	v2 =	vand.u32 $0x38, v5;
	v5 =	vand.u32 $0xFFFFFFC0, v7  }
0x80: {  	v0 =	vand.u32 $0x7FF8, v63;
	v2 =	vor.u32 v5, v2;
	v5 =	vld [tilespmem:$0x1FE80]  }
0x81: {  	v3 =	vld.idx.msk [tilespmem:v3+s11+$0x0], $0xffff;
	v0 =	vor.u32 v16, v0  }
0x82: {  	v2 =	vor.u32 v62, v2;
	_ =	sdelay $0x2  }
0x83: {  	v5 =	vadd.s32 s17, v5  }
0x84: {  	[tilespmem:v0+s13+$0x0] =	vst.idx.msk $0xffff, v3;
	v0 =	vand.u32 $0x7FF8, v5;
	v5 =	vld [tilespmem:$0x1FE90]  }
0x85: {  	v2 =	vld.idx.msk [tilespmem:v2+s11+$0x0], $0xffff;
	v0 =	vor.u32 v1, v0  }
0x86: {  	v3 =	vadd.s32 $0x11, v59;
	_ =	sdelay $0x2  }
0x87: {  	v5 =	vadd.s32 s17, v5  }
0x88: {  	[tilespmem:v0+s13+$0x0] =	vst.idx.msk $0xffff, v2;
	v0 =	vand.u32 $0x7FF8, v5;
	v5 =	vld [tilespmem:$0x1FEA0]  }
0x89: {  	v2 =	vld.idx.msk [tilespmem:v3+s11+$0x0], $0xffff;
	v0 =	vor.u32 v4, v0  }
0x8a: {  	v3 =	vadd.s32 $0x12, v59;
	_ =	sdelay $0x2  }
0x8b: {  	v5 =	vadd.s32 s17, v5  }
0x8c: {  	[tilespmem:v0+s13+$0x0] =	vst.idx.msk $0xffff, v2;
	v0 =	vand.u32 $0x7FF8, v5;
	v5 =	vld [tilespmem:$0x1FEB0]  }
0x8d: {  	v2 =	vld.idx.msk [tilespmem:v3+s11+$0x0], $0xffff;
	v0 =	vor.u32 v6, v0  }
0x8e: {  	v3 =	vadd.s32 $0x13, v59;
	_ =	sdelay $0x2  }
0x8f: {  	v5 =	vadd.s32 s17, v5  }
0x90: {  	[tilespmem:v0+s13+$0x0] =	vst.idx.msk $0xffff, v2;
	v0 =	vand.u32 $0x7FF8, v5;
	v5 =	vld [tilespmem:$0x1FEC0]  }
0x91: {  	v2 =	vld.idx.msk [tilespmem:v3+s11+$0x0], $0xffff;
	v0 =	vor.u32 v8, v0  }
0x92: {  	v3 =	vadd.s32 $0x14, v59;
	_ =	sdelay $0x2  }
0x93: {  	v5 =	vadd.s32 s17, v5  }
0x94: {  	[tilespmem:v0+s13+$0x0] =	vst.idx.msk $0xffff, v2;
	v0 =	vand.u32 $0x7FF8, v5  }
0x95: {  	v2 =	vld.idx.msk [tilespmem:v3+s11+$0x0], $0xffff;
	v0 =	vor.u32 v10, v0  }
0x96: {  	v3 =	vadd.s32 $0x15, v59;
	_ =	sdelay $0x2  }
0x97: {  	v5 =	vadd.s32 s17, v35  }
0x98: {  	[tilespmem:v0+s13+$0x0] =	vst.idx.msk $0xffff, v2;
	v0 =	vand.u32 $0x7FF8, v5  }
0x99: {  	v2 =	vld.idx.msk [tilespmem:v3+s11+$0x0], $0xffff;
	v0 =	vor.u32 v12, v0  }
0x9a: {  	v3 =	vadd.s32 $0x16, v59;
	_ =	sdelay $0x2  }
0x9b: {  	v5 =	vadd.s32 s17, v36  }
0x9c: {  	[tilespmem:v0+s13+$0x0] =	vst.idx.msk $0xffff, v2;
	v0 =	vand.u32 $0x7FF8, v5  }
0x9d: {  	v2 =	vld.idx.msk [tilespmem:v3+s11+$0x0], $0xffff;
	v0 =	vor.u32 v14, v0  }
0x9e: {  	v3 =	vadd.s32 $0x17, v59;
	_ =	sdelay $0x1  }
0x9f: {  	v5 =	vadd.s32 $0x18, v60  }
0xa0: {  	v7 =	vadd.s32 s17, v37;
	v63 =	vadd.s32 v61, v5  }
0xa1: {  	[tilespmem:v0+s13+$0x0] =	vst.idx.msk $0xffff, v2;
	v0 =	vand.u32 $0x7FF8, v7;
	v2 =	vand.u32 $0x38, v5;
	v5 =	vand.u32 $0xFFFFFFC0, v63  }
0xa2: {  	v3 =	vld.idx.msk [tilespmem:v3+s11+$0x0], $0xffff;
	v0 =	vor.u32 v16, v0;
	v2 =	vor.u32 v5, v2  }
0xa3: {  	v2 =	vor.u32 v62, v2;
	_ =	sdelay $0x2  }
0xa4: {  	v5 =	vadd.s32 s17, v38  }
0xa5: {  	[tilespmem:v0+s13+$0x0] =	vst.idx.msk $0xffff, v3;
	v0 =	vand.u32 $0x7FF8, v5  }
0xa6: {  	v2 =	vld.idx.msk [tilespmem:v2+s11+$0x0], $0xffff;
	v0 =	vor.u32 v1, v0  }
0xa7: {  	v3 =	vadd.s32 $0x19, v59;
	_ =	sdelay $0x2  }
0xa8: {  	v5 =	vadd.s32 s17, v39  }
0xa9: {  	[tilespmem:v0+s13+$0x0] =	vst.idx.msk $0xffff, v2;
	v0 =	vand.u32 $0x7FF8, v5  }
0xaa: {  	v2 =	vld.idx.msk [tilespmem:v3+s11+$0x0], $0xffff;
	v0 =	vor.u32 v4, v0  }
0xab: {  	v3 =	vadd.s32 $0x1A, v59;
	_ =	sdelay $0x2  }
0xac: {  	v5 =	vadd.s32 s17, v40  }
0xad: {  	[tilespmem:v0+s13+$0x0] =	vst.idx.msk $0xffff, v2;
	v0 =	vand.u32 $0x7FF8, v5  }
0xae: {  	v2 =	vld.idx.msk [tilespmem:v3+s11+$0x0], $0xffff;
	v0 =	vor.u32 v6, v0  }
0xaf: {  	v3 =	vadd.s32 $0x1B, v59;
	_ =	sdelay $0x2  }
0xb0: {  	v5 =	vadd.s32 s17, v41  }
0xb1: {  	[tilespmem:v0+s13+$0x0] =	vst.idx.msk $0xffff, v2;
	v0 =	vand.u32 $0x7FF8, v5  }
0xb2: {  	v2 =	vld.idx.msk [tilespmem:v3+s11+$0x0], $0xffff;
	v0 =	vor.u32 v8, v0  }
0xb3: {  	v3 =	vadd.s32 $0x1C, v59;
	_ =	sdelay $0x2  }
0xb4: {  	v5 =	vadd.s32 s17, v42  }
0xb5: {  	[tilespmem:v0+s13+$0x0] =	vst.idx.msk $0xffff, v2;
	v0 =	vand.u32 $0x7FF8, v5  }
0xb6: {  	v2 =	vld.idx.msk [tilespmem:v3+s11+$0x0], $0xffff;
	v0 =	vor.u32 v10, v0  }
0xb7: {  	v3 =	vadd.s32 $0x1D, v59;
	_ =	sdelay $0x2  }
0xb8: {  	v5 =	vadd.s32 s17, v43  }
0xb9: {  	[tilespmem:v0+s13+$0x0] =	vst.idx.msk $0xffff, v2;
	v0 =	vand.u32 $0x7FF8, v5  }
0xba: {  	v2 =	vld.idx.msk [tilespmem:v3+s11+$0x0], $0xffff;
	v0 =	vor.u32 v12, v0  }
0xbb: {  	v3 =	vadd.s32 $0x1E, v59;
	_ =	sdelay $0x2  }
0xbc: {  	v5 =	vadd.s32 s17, v44  }
0xbd: {  	[tilespmem:v0+s13+$0x0] =	vst.idx.msk $0xffff, v2;
	v0 =	vand.u32 $0x7FF8, v5  }
0xbe: {  	v2 =	vld.idx.msk [tilespmem:v3+s11+$0x0], $0xffff;
	v0 =	vor.u32 v14, v0  }
0xbf: {  	v3 =	vadd.s32 $0x1F, v59;
	_ =	sdelay $0x1  }
0xc0: {  	v5 =	vadd.s32 $0x20, v60  }
0xc1: {  	v7 =	vadd.s32 s17, v45;
	v63 =	vadd.s32 v61, v5  }
0xc2: {  	[tilespmem:v0+s13+$0x0] =	vst.idx.msk $0xffff, v2;
	v0 =	vand.u32 $0x7FF8, v7;
	v2 =	vand.u32 $0x38, v5;
	v5 =	vand.u32 $0xFFFFFFC0, v63  }
0xc3: {  	v3 =	vld.idx.msk [tilespmem:v3+s11+$0x0], $0xffff;
	v0 =	vor.u32 v16, v0;
	v2 =	vor.u32 v5, v2  }
0xc4: {  	v2 =	vor.u32 v62, v2;
	_ =	sdelay $0x2  }
0xc5: {  	v5 =	vadd.s32 s17, v46  }
0xc6: {  	[tilespmem:v0+s13+$0x0] =	vst.idx.msk $0xffff, v3;
	v0 =	vand.u32 $0x7FF8, v5  }
0xc7: {  	v2 =	vld.idx.msk [tilespmem:v2+s11+$0x0], $0xffff;
	v0 =	vor.u32 v1, v0  }
0xc8: {  	v3 =	vadd.s32 $0x21, v59;
	_ =	sdelay $0x2  }
0xc9: {  	v5 =	vadd.s32 s17, v47  }
0xca: {  	[tilespmem:v0+s13+$0x0] =	vst.idx.msk $0xffff, v2;
	v0 =	vand.u32 $0x7FF8, v5  }
0xcb: {  	v2 =	vld.idx.msk [tilespmem:v3+s11+$0x0], $0xffff;
	v0 =	vor.u32 v4, v0  }
0xcc: {  	v3 =	vadd.s32 $0x22, v59;
	_ =	sdelay $0x2  }
0xcd: {  	v5 =	vadd.s32 s17, v48  }
0xce: {  	[tilespmem:v0+s13+$0x0] =	vst.idx.msk $0xffff, v2;
	v0 =	vand.u32 $0x7FF8, v5  }
0xcf: {  	v2 =	vld.idx.msk [tilespmem:v3+s11+$0x0], $0xffff;
	v0 =	vor.u32 v6, v0  }
0xd0: {  	v3 =	vadd.s32 $0x23, v59;
	_ =	sdelay $0x2  }
0xd1: {  	v5 =	vadd.s32 s17, v49  }
0xd2: {  	[tilespmem:v0+s13+$0x0] =	vst.idx.msk $0xffff, v2;
	v0 =	vand.u32 $0x7FF8, v5  }
0xd3: {  	v2 =	vld.idx.msk [tilespmem:v3+s11+$0x0], $0xffff;
	v0 =	vor.u32 v8, v0  }
0xd4: {  	v3 =	vadd.s32 $0x24, v59;
	_ =	sdelay $0x2  }
0xd5: {  	v5 =	vadd.s32 s17, v50  }
0xd6: {  	[tilespmem:v0+s13+$0x0] =	vst.idx.msk $0xffff, v2;
	v0 =	vand.u32 $0x7FF8, v5  }
0xd7: {  	v2 =	vld.idx.msk [tilespmem:v3+s11+$0x0], $0xffff;
	v0 =	vor.u32 v10, v0  }
0xd8: {  	v3 =	vadd.s32 $0x25, v59;
	_ =	sdelay $0x2  }
0xd9: {  	v5 =	vadd.s32 s17, v51  }
0xda: {  	[tilespmem:v0+s13+$0x0] =	vst.idx.msk $0xffff, v2;
	v0 =	vand.u32 $0x7FF8, v5  }
0xdb: {  	v2 =	vld.idx.msk [tilespmem:v3+s11+$0x0], $0xffff;
	v0 =	vor.u32 v12, v0  }
0xdc: {  	v3 =	vadd.s32 $0x26, v59;
	_ =	sdelay $0x2  }
0xdd: {  	v5 =	vadd.s32 s17, v52  }
0xde: {  	[tilespmem:v0+s13+$0x0] =	vst.idx.msk $0xffff, v2;
	v0 =	vand.u32 $0x7FF8, v5  }
0xdf: {  	v2 =	vld.idx.msk [tilespmem:v3+s11+$0x0], $0xffff;
	v0 =	vor.u32 v14, v0  }
0xe0: {  	v3 =	vadd.s32 $0x27, v59;
	_ =	sdelay $0x1  }
0xe1: {  	v5 =	vadd.s32 $0x28, v60  }
0xe2: {  	v7 =	vadd.s32 s17, v53;
	v63 =	vadd.s32 v61, v5  }
0xe3: {  	[tilespmem:v0+s13+$0x0] =	vst.idx.msk $0xffff, v2;
	v0 =	vand.u32 $0x7FF8, v7;
	v2 =	vand.u32 $0x38, v5;
	v5 =	vand.u32 $0xFFFFFFC0, v63  }
0xe4: {  	v3 =	vld.idx.msk [tilespmem:v3+s11+$0x0], $0xffff;
	v0 =	vor.u32 v16, v0;
	v2 =	vor.u32 v5, v2  }
0xe5: {  	v2 =	vor.u32 v62, v2;
	_ =	sdelay $0x2  }
0xe6: {  	v5 =	vadd.s32 s17, v54  }
0xe7: {  	[tilespmem:v0+s13+$0x0] =	vst.idx.msk $0xffff, v3;
	v0 =	vand.u32 $0x7FF8, v5  }
0xe8: {  	v2 =	vld.idx.msk [tilespmem:v2+s11+$0x0], $0xffff;
	v0 =	vor.u32 v1, v0  }
0xe9: {  	v3 =	vadd.s32 $0x29, v59;
	_ =	sdelay $0x2  }
0xea: {  	v5 =	vadd.s32 s17, v55  }
0xeb: {  	[tilespmem:v0+s13+$0x0] =	vst.idx.msk $0xffff, v2;
	v0 =	vand.u32 $0x7FF8, v5  }
0xec: {  	v2 =	vld.idx.msk [tilespmem:v3+s11+$0x0], $0xffff;
	v0 =	vor.u32 v4, v0  }
0xed: {  	v3 =	vadd.s32 $0x2A, v59;
	_ =	sdelay $0x2  }
0xee: {  	v5 =	vadd.s32 s17, v56  }
0xef: {  	[tilespmem:v0+s13+$0x0] =	vst.idx.msk $0xffff, v2;
	v0 =	vand.u32 $0x7FF8, v5  }
0xf0: {  	v2 =	vld.idx.msk [tilespmem:v3+s11+$0x0], $0xffff;
	v0 =	vor.u32 v6, v0  }
0xf1: {  	v3 =	vadd.s32 $0x2B, v59;
	_ =	sdelay $0x2  }
0xf2: {  	v5 =	vadd.s32 s17, v57  }
0xf3: {  	[tilespmem:v0+s13+$0x0] =	vst.idx.msk $0xffff, v2;
	v0 =	vand.u32 $0x7FF8, v5  }
0xf4: {  	v2 =	vld.idx.msk [tilespmem:v3+s11+$0x0], $0xffff;
	v0 =	vor.u32 v8, v0  }
0xf5: {  	v3 =	vadd.s32 $0x2C, v59;
	_ =	sdelay $0x2  }
0xf6: {  	v5 =	vadd.s32 s17, v58  }
0xf7: {  	[tilespmem:v0+s13+$0x0] =	vst.idx.msk $0xffff, v2;
	v0 =	vand.u32 $0x7FF8, v5  }
0xf8: {  	v2 =	vld.idx.msk [tilespmem:v3+s11+$0x0], $0xffff;
	v0 =	vor.u32 v10, v0  }
0xf9: {  	v3 =	vadd.s32 $0x2D, v59;
	_ =	sdelay $0x2  }
0xfa: {  	v5 =	vadd.s32 s17, v30  }
0xfb: {  	[tilespmem:v0+s13+$0x0] =	vst.idx.msk $0xffff, v2;
	v0 =	vand.u32 $0x7FF8, v5  }
0xfc: {  	v2 =	vld.idx.msk [tilespmem:v3+s11+$0x0], $0xffff;
	v0 =	vor.u32 v12, v0  }
0xfd: {  	v3 =	vadd.s32 $0x2E, v59;
	_ =	sdelay $0x2  }
0xfe: {  	v5 =	vadd.s32 s17, v31  }
0xff: {  	[tilespmem:v0+s13+$0x0] =	vst.idx.msk $0xffff, v2;
	v0 =	vand.u32 $0x7FF8, v5  }
0x100: {  	v2 =	vld.idx.msk [tilespmem:v3+s11+$0x0], $0xffff;
	v0 =	vor.u32 v14, v0  }
0x101: {  	v3 =	vadd.s32 $0x2F, v59;
	_ =	sdelay $0x1  }
0x102: {  	v5 =	vadd.s32 $0x30, v60  }
0x103: {  	v7 =	vadd.s32 s17, v32;
	v60 =	vadd.s32 v61, v5  }
0x104: {  	[tilespmem:v0+s13+$0x0] =	vst.idx.msk $0xffff, v2;
	v0 =	vand.u32 $0x7FF8, v7;
	v2 =	vand.u32 $0x38, v5;
	v5 =	vand.u32 $0xFFFFFFC0, v60  }
0x105: {  	v2 =	vor.u32 v5, v2;
	v3 =	vld.idx.msk [tilespmem:v3+s11+$0x0], $0xffff;
	v0 =	vor.u32 v16, v0  }
0x106: {  	v2 =	vor.u32 v62, v2;
	_ =	sdelay $0x2  }
0x107: {  	v5 =	vadd.s32 s17, v33  }
0x108: {  	[tilespmem:v0+s13+$0x0] =	vst.idx.msk $0xffff, v3;
	v0 =	vand.u32 $0x7FF8, v5  }
0x109: {  	v2 =	vld.idx.msk [tilespmem:v2+s11+$0x0], $0xffff;
	v0 =	vor.u32 v1, v0  }
0x10a: {  	v3 =	vadd.s32 $0x31, v59;
	_ =	sdelay $0x2  }
0x10b: {  	v5 =	vadd.s32 s17, v34  }
0x10c: {  	[tilespmem:v0+s13+$0x0] =	vst.idx.msk $0xffff, v2;
	v0 =	vand.u32 $0x7FF8, v5  }
0x10d: {  	p0 =	sne.s32 s19, $0x1E0;
	v2 =	vld.idx.msk [tilespmem:v3+s11+$0x0], $0xffff;
	v0 =	vor.u32 v4, v0  }
.Ltmp0:
0x10e: {  	_ = 	snop;
	(pc) =	sbr.rel @p0 .LBB2_3-.Ltmp0, $3  }
0x10f: {  	_ =	sdelay $0x1  }
0x110: {  	v7 =	vmov v22;
	v22 =	vmov v23  }
0x111: {  	s18 =	sadd.s32 $0x10, s18;
	s19 =	sadd.s32 $0x20, s19;
	v23 =	vmovc v24;
	v24 =	vmovc v25;
	v25 =	vmov v26;
	v26 =	vmov v27;
	v27 =	vmov v28;
	s17 =	sadd.s32 $0x320, s17;
	[tilespmem:v0+s13+$0x0] =	vst.idx.msk $0xffff, v2  }
0x112: {  	s17 =	smul.u32 $0x3200, s16;
	_ =	sdelay $0x1  }
0x113: {  	s16 =	sadd.s32 $0x1, s16;
	s17 =	sadd.s32 s7, s17  }
0x114: {  	p0 =	sne.s32 s16, $0xD;
	s17 =	sshrl.u32 s17, $0x3  }
.Ltmp1:
0x115: {  	s17 =	sadd.s32 s2, s17;
	(pc) =	sbr.rel @p0 .LBB2_2-.Ltmp1, $4  }
0x116: {  	[hbm4b:s17+s3] =	stream.linear.scatter [tilespmem:s13], [sflag:$0x2], $0x3200, $0x38;
	[tilespmem:$0xD900] =	vst v63  }
0x117: {  	_ =	swait.ge [sflag:s9], $0x3200  }
0x118: {  	[sflag:s9] =	ssyncset.done $0x0  }
0x119: {  	s15 =	sadd.s32 $0x100, s15;
	[sflag:s9] =	ssyncadd.s32 $0xFFFFCE00  }
0x11a: {  	s14 =	sadd.s32 $0x1, s14  }
0x11b: {  	p0 =	sne.s32 s14, s8  }
.Ltmp2:
0x11c: {  	_ = 	snop;
	(pc) =	sbr.rel @p0 .LBB2_1-.Ltmp2, $1  }
0x11d: {  	_ =	sdelay $0x3  }
0x11e: {  	_ =	sfence.sel $0x180000  }
0x11f: {  	[bflag:$0x0] =	sbarrier.arrive $0xFFFF  }
0x120: {  	p0 =	sne.s32 s0, $0x0;
	_ =	strace $0x90000047  }
0x121: {  	s0 =	sadd.s32 @!p0 $0x100000, s1;
	[bflag:$0x2] =	sbarrier.arrive $0xFFFF  }
0x122: {  	[sflag:s0] =	ssyncadd.tile.s32 @!p0 $0x1;
	_ =	shalt  }
.Lfunc_end2:
_tile_overlayer_lowered:
.L_overlay_start_2:
0x123: {  	(tag) =	ssettag $0x2  }
0x124: {  	s0 =	rddreg [dreg:$0x0];
	s2 =	stileid.u32  }
0x125: {  	s1 =	rddreg [dreg:$0x1];
	p0 =	sne.s32 s2, $0x0  }
0x126: {  	s3 =	rddreg [dreg:$0x2];
	[bflag:$0x3] =	sbarrier.arrive $0xFFFF;
	s2 =	simm.s32 @!p0 $0x1C02  }
0x127: {  	[timem:s3], [sflag:s2] =	dma.local @!p0 [hbm:s0], s1  }
0x128: {  	s0 =	simm.s32 @!p0 $0x2  }
0x129: {  	_ =	swait.ge @!p0 [sflag:s0], s1  }
0x12a: {  	s1 =	ssub.s32 @!p0 $0x0, s1;
	[sflag:s0] =	ssyncset.done @!p0 $0x0  }
0x12b: {  	[sflag:s0] =	ssyncadd.s32 @!p0 s1  }
0x12c: {  	[bflag:$0x3] =	sbarrier.arrive $0xFFFF  }
0x12d: {  	_ =	shalt  }

</sc_bundles>
